<compile_context>
chip_gen: v7x
topology: tpu7x:2x2x1
jax: 0.10.2.dev20260603
libtpu: 0.0.44.dev20260713+nightly
codegen_flags: <defaults>
</compile_context>

<pallas_src>
import functools

import jax
import jax.numpy as jnp
from jax import lax
from jax.experimental import pallas as pl
from jax.experimental.pallas import tpu as pltpu
from jax.experimental.pallas import tpu_sc as plsc

NC = 2
NS = 16
L = 16
NW = NC * NS


def _pad_up(v, m):
    return ((v + m - 1) // m) * m


def _sc_segsum(edges, u, NP, RS):
    E = edges.shape[1]
    EPT = E // NW
    WIN = _pad_up(EPT + 112, 128)
    gather = u is not None

    mesh = plsc.VectorSubcoreMesh(core_axis_name="c", subcore_axis_name="s",
                                  num_cores=NC)

    scratch = [
        pltpu.VMEM((2, WIN), jnp.int32),
        pltpu.VMEM((NP,), jnp.float32),
    ]
    if gather:
        scratch.append(pltpu.VMEM((NP,), jnp.float32))
    scratch.append(pltpu.SemaphoreType.DMA)

    @functools.partial(
        pl.kernel,
        out_type=jax.ShapeDtypeStruct((NW * RS,), jnp.float32),
        mesh=mesh,
        scratch_types=scratch,
        compiler_params=pltpu.CompilerParams(needs_layout_passes=False),
    )
    def seg_kernel(*refs):
        if gather:
            edges_hbm, u_hbm, out_hbm, e_v, acc_v, u_v, sem = refs
        else:
            edges_hbm, out_hbm, e_v, acc_v, sem = refs
        cid = lax.axis_index("c")
        sid = lax.axis_index("s")
        wid = sid * NC + cid

        begin = wid * EPT
        start = jnp.minimum((begin // 128) * 128, E - WIN)
        off = begin - start

        copies = [pltpu.async_copy(edges_hbm.at[:, pl.ds(start, WIN)],
                                   e_v, sem)]
        if gather:
            copies.append(pltpu.async_copy(u_hbm, u_v, sem))

        def zero_body(i, _):
            acc_v[pl.ds(i * L, L)] = jnp.zeros((L,), jnp.float32)
            return 0
        lax.fori_loop(0, NP // L, zero_body, 0, unroll=8)

        for c in copies:
            c.wait()

        ones = jnp.full((L,), 1.0, jnp.float32)

        def scat_body(i, _):
            d = e_v[1, pl.ds(off + i * L, L)]
            if gather:
                s = e_v[0, pl.ds(off + i * L, L)]
                vals = plsc.load_gather(u_v, [s])
            else:
                vals = ones
            plsc.addupdate_scatter(acc_v, [d], vals)
            return 0
        lax.fori_loop(0, EPT // L, scat_body, 0, unroll=16)

        pltpu.sync_copy(acc_v, out_hbm.at[pl.ds(wid * RS, NP)])

    if gather:
        return seg_kernel(edges, u)
    return seg_kernel(edges)


def _rowsum(flat_ref, NP, RS):
    acc = flat_ref[pl.ds(0, NP)]
    for r in range(1, NW):
        acc = acc + flat_ref[pl.ds(r * RS, NP)]
    return acc


def _vt(WdT_ref, W2_ref):
    return lax.dot_general(WdT_ref[...], W2_ref[...],
                           (((1,), (1,)), ((), ())),
                           preferred_element_type=jnp.float32)


def _tc0(x, W1, W2, WdT):
    NP = x.shape[0]

    def body(x_ref, W1_ref, W2_ref, WdT_ref, z_ref):
        vT = _vt(WdT_ref, W2_ref)
        wT = lax.dot_general(vT, W1_ref[...], (((1,), (1,)), ((), ())),
                             preferred_element_type=jnp.float32)
        z_ref[...] = jnp.sum(x_ref[...] * wT, axis=1)

    return pl.pallas_call(
        body,
        out_shape=jax.ShapeDtypeStruct((NP,), jnp.float32),
    )(x, W1, W2, WdT)


def _tc1(z, degp, RS):
    NP = z.shape[0]

    def body(z_ref, degp_ref, u_ref, norm_ref):
        deg = _rowsum(degp_ref, NP, RS) + 1.0
        norm = lax.rsqrt(deg)
        norm_ref[...] = norm
        u_ref[...] = norm * z_ref[...]

    return pl.pallas_call(
        body,
        out_shape=[jax.ShapeDtypeStruct((NP,), jnp.float32),
                   jax.ShapeDtypeStruct((NP,), jnp.float32)],
    )(z, degp)


def _tc2(s1p, u, norm, W2, WdT, b1r, RS):
    NP = u.shape[0]

    def body(s1p_ref, u_ref, norm_ref, W2_ref, WdT_ref, b1r_ref, u2_ref):
        vT = _vt(WdT_ref, W2_ref)
        c1 = jnp.sum(vT * b1r_ref[...])
        s1 = _rowsum(s1p_ref, NP, RS)
        y1 = norm_ref[...] * (s1 + u_ref[...]) + c1
        u2_ref[...] = norm_ref[...] * y1

    return pl.pallas_call(
        body,
        out_shape=jax.ShapeDtypeStruct((NP,), jnp.float32),
    )(s1p, u, norm, W2, WdT, b1r)


def _tc3(s2p, u2, norm, WdT, b2r, bdr, RS):
    NP = u2.shape[0]

    def body(s2p_ref, u2_ref, norm_ref, WdT_ref, b2r_ref, bdr_ref, out_ref):
        c2 = jnp.sum(WdT_ref[...] * b2r_ref[...]) + jnp.sum(bdr_ref[...])
        s2 = _rowsum(s2p_ref, NP, RS)
        out_ref[...] = norm_ref[...] * (s2 + u2_ref[...]) + c2

    return pl.pallas_call(
        body,
        out_shape=jax.ShapeDtypeStruct((NP,), jnp.float32),
    )(s2p, u2, norm, WdT, b2r, bdr)


def kernel(x, edge_index, W1, b1, W2, b2, Wd, bd):
    N = x.shape[0]
    E = edge_index.shape[1]

    edges = edge_index.astype(jnp.int32)

    Ep = _pad_up(E, max(NW * L, 128))
    NP = N if (N % L == 0 and Ep == E) else _pad_up(N + 1, L)
    if Ep > E:
        pad = jnp.zeros((2, Ep - E), jnp.int32).at[1].set(N)
        edges = jnp.concatenate([edges, pad], axis=1)
    if NP > N:
        x = jnp.zeros((NP, x.shape[1]), jnp.float32).at[:N].set(x)
    RS = _pad_up(NP, 128)

    WdT = Wd.T
    b1r = b1.reshape(1, -1)
    b2r = b2.reshape(1, -1)
    bdr = bd.reshape(1, -1)

    z = _tc0(x, W1, W2, WdT)
    degp = _sc_segsum(edges, None, NP, RS)
    u, norm = _tc1(z, degp, RS)
    s1p = _sc_segsum(edges, u, NP, RS)
    u2 = _tc2(s1p, u, norm, W2, WdT, b1r, RS)
    s2p = _sc_segsum(edges, u2, NP, RS)
    o = _tc3(s2p, u2, norm, WdT, b2r, bdr, RS)
    return o[:N, None]

# --- scband reference (transcript-rebuilt; emitter-appended) ---
"""Pipeline reference for scband-gcnn-46591805227161 (READ-ONLY COPY).

The authoritative reference and input builder live on the scoring server;
editing this copy changes nothing except your own understanding.
"""

import jax, jax.numpy as jnp
import numpy as np

N_NODES = 10000
N_EDGES = 320000
D_FEAT = 128
HIDDEN = [128, 128]


def setup_inputs(seed: int = 0) -> dict:
    key = jax.random.key(seed)
    ks = jax.random.split(key, 8)
    x = jax.random.normal(ks[0], (N_NODES, D_FEAT), dtype=jnp.float32)
    edge_index = jax.random.randint(ks[1], (2, N_EDGES), 0, N_NODES, dtype=jnp.int64)
    W1 = jax.random.normal(ks[2], (D_FEAT, HIDDEN[0]), dtype=jnp.float32) * (1.0 / np.sqrt(D_FEAT))
    b1 = jnp.zeros((HIDDEN[0],), dtype=jnp.float32)
    W2 = jax.random.normal(ks[3], (HIDDEN[0], HIDDEN[1]), dtype=jnp.float32) * (1.0 / np.sqrt(HIDDEN[0]))
    b2 = jnp.zeros((HIDDEN[1],), dtype=jnp.float32)
    Wd = jax.random.normal(ks[4], (HIDDEN[1], 1), dtype=jnp.float32) * (1.0 / np.sqrt(HIDDEN[1]))
    bd = jnp.zeros((1,), dtype=jnp.float32)
    return {"x": x, "edge_index": edge_index, "W1": W1, "b1": b1, "W2": W2, "b2": b2, "Wd": Wd, "bd": bd}


def reference(x, edge_index, W1, b1, W2, b2, Wd, bd):
    # GCNN: stack of spektral GCNConv layers (linear activation) + final Dense(1).
    # GCNConv: out = A_hat @ (x @ W) + b, with A_hat = D^{-1/2}(A+I)D^{-1/2}
    n = x.shape[0]
    src = edge_index[0]
    dst = edge_index[1]
    # symmetric normalization with self-loops
    deg = jnp.zeros((n,), dtype=jnp.float32).at[dst].add(1.0) + 1.0
    norm = jax.lax.rsqrt(deg)
    ew = norm[src] * norm[dst]  # per-edge weight
    self_w = norm * norm        # self-loop weight

    def gcn_conv(h, W, b):
        h = h @ W
        msg = h[src] * ew[:, None]               # gather + scale
        agg = jax.ops.segment_sum(msg, dst, num_segments=n)  # scatter-add
        agg = agg + h * self_w[:, None]          # self loops
        return agg + b

    h = gcn_conv(x, W1, b1)
    h = gcn_conv(h, W2, b2)
    out = h @ Wd + bd
    return out

if __name__ == "__main__":
    import jax
    _d = setup_inputs()
    print(jax.jit(kernel)(*tuple(_d.values())))

</pallas_src>

<mosaic_0001>
#map = affine_map<(d0, d1) -> (0, 0)>
#map1 = affine_map<(d0, d1) -> (0)>
module attributes {stable_mosaic.version = 14 : i64} {
  func.func @seg_kernel(%arg0: i32, %arg1: i32, %arg2: memref<2x320000xi32, #tpu.memory_space<hbm>>, %arg3: memref<10000xf32, #tpu.memory_space<hbm>>, %arg4: memref<323584xf32, #tpu.memory_space<hbm>>, %arg5: memref<2x10112xi32, #tpu.memory_space<vmem>>, %arg6: memref<10000xf32, #tpu.memory_space<vmem>>, %arg7: memref<10000xf32, #tpu.memory_space<vmem>>, %arg8: memref<!tpu.dma_semaphore, #tpu.memory_space<semaphore_mem>>) attributes {dimension_semantics = [#tpu.dimension_semantics<core_parallel>, #tpu.dimension_semantics<subcore_parallel>], iteration_bounds = array<i64: 2, 16>, scalar_prefetch = 0 : i64, scratch_operands = 4 : i64, tpu.core_type = #tpu.core_type<sc_vector_subcore>, window_params = [{transform_indices = #map}, {transform_indices = #map1}, {transform_indices = #map1}]} {
    %mul3A = arith.constant 2 : i32
    %mul3A_0 = arith.muli %arg1, %mul3A : i32
    %add3A = arith.addi %mul3A_0, %arg0 : i32
    %mul3A_1 = arith.constant 10000 : i32
    %mul3A_2 = arith.muli %add3A, %mul3A_1 : i32
    %jit3A = arith.constant 128 : i32
    %div3A = arith.divsi %mul3A_2, %jit3A : i32
    %sign3A = arith.constant 0 : i32
    %sign3A_3 = arith.cmpi sgt, %mul3A_2, %sign3A : i32
    %sign3A_4 = arith.extui %sign3A_3 : i1 to i32
    %sign3A_5 = arith.constant 0 : i32
    %sign3A_6 = arith.cmpi slt, %mul3A_2, %sign3A_5 : i32
    %sign3A_7 = arith.extui %sign3A_6 : i1 to i32
    %sign3A_8 = arith.subi %sign3A_4, %sign3A_7 : i32
    %sign3A_9 = arith.constant 0 : i32
    %sign3A_10 = arith.cmpi sgt, %jit3A, %sign3A_9 : i32
    %sign3A_11 = arith.extui %sign3A_10 : i1 to i32
    %sign3A_12 = arith.constant 0 : i32
    %sign3A_13 = arith.cmpi slt, %jit3A, %sign3A_12 : i32
    %sign3A_14 = arith.extui %sign3A_13 : i1 to i32
    %sign3A_15 = arith.subi %sign3A_11, %sign3A_14 : i32
    %ne3A = arith.cmpi ne, %sign3A_8, %sign3A_15 : i32
    %rem3A = arith.remsi %mul3A_2, %jit3A : i32
    %ne3A_16 = arith.constant 0 : i32
    %ne3A_17 = arith.cmpi ne, %rem3A, %ne3A_16 : i32
    %and3A = arith.andi %ne3A, %ne3A_17 : i1
    %sub3A = arith.constant 1 : i32
    %sub3A_18 = arith.subi %div3A, %sub3A : i32
    %select_n3A = arith.select %and3A, %sub3A_18, %div3A : i32
    %mul3A_19 = arith.constant 128 : i32
    %mul3A_20 = arith.muli %select_n3A, %mul3A_19 : i32
    %min3A = arith.constant 309888 : i32
    %min3A_21 = arith.minsi %mul3A_20, %min3A : i32
    %sub3A_22 = arith.subi %mul3A_2, %min3A_21 : i32
    %dma_start3A = arith.constant 0 : i32
    %dma_start3A_23 = tpu.memref_slice %arg2[%dma_start3A, %min3A_21] : memref<2x320000xi32, #tpu.memory_space<hbm>> -> memref<2x10112xi32, #tpu.memory_space<hbm>>
    %dma_start3A_24 = arith.constant 0 : i32
    %dma_start3A_25 = tpu.memref_slice %arg2[%dma_start3A_24, %min3A_21] : memref<2x320000xi32, #tpu.memory_space<hbm>> -> memref<2x10112xi32, #tpu.memory_space<hbm>>
    tpu.enqueue_dma source(%dma_start3A_25 : memref<2x10112xi32, #tpu.memory_space<hbm>>) target(%arg5 : memref<2x10112xi32, #tpu.memory_space<vmem>>) target_semaphore(%arg8 : memref<!tpu.dma_semaphore, #tpu.memory_space<semaphore_mem>>)
    tpu.enqueue_dma source(%arg3 : memref<10000xf32, #tpu.memory_space<hbm>>) target(%arg7 : memref<10000xf32, #tpu.memory_space<vmem>>) target_semaphore(%arg8 : memref<!tpu.dma_semaphore, #tpu.memory_space<semaphore_mem>>)
    %scan3A = arith.constant 0 : i32
    %scan3A_26 = arith.constant 0 : i32
    %scan3A_27 = arith.constant 624 : i32
    %scan3A_28 = arith.addi %scan3A_26, %scan3A_27 : i32
    %scan3A_29 = arith.constant 8 : i32
    %scan3A_30 = scf.for %scan3A_69 = %scan3A_26 to %scan3A_28 step %scan3A_29 iter_args(%scan3A_70 = %scan3A) -> (i32)  : i32 {
      %broadcast_in_dim3A_71 = arith.constant 0.000000e+00 : f32
      %broadcast_in_dim3A_72 = vector.broadcast %broadcast_in_dim3A_71 : f32 to vector<16xf32>
      %mul3A_73 = arith.constant 16 : i32
      %mul3A_74 = arith.muli %scan3A_69, %mul3A_73 : i32
      %swap3A_75 = arith.index_cast %mul3A_74 : i32 to index
      %swap3A_76 = tpu.vector_load %arg6[%swap3A_75] {strides = array<i32>} : memref<10000xf32, #tpu.memory_space<vmem>>, vector<16xf32>,
      tpu.vector_store %arg6[%swap3A_75], %broadcast_in_dim3A_72 {strides = array<i32>} : memref<10000xf32, #tpu.memory_space<vmem>>, vector<16xf32>,
      %scan3A_77 = arith.constant 0 : i32
      %scan3A_78 = arith.constant 1 : i32
      %scan3A_79 = arith.addi %scan3A_69, %scan3A_78 : i32
      %broadcast_in_dim3A_80 = arith.constant 0.000000e+00 : f32
      %broadcast_in_dim3A_81 = vector.broadcast %broadcast_in_dim3A_80 : f32 to vector<16xf32>
      %mul3A_82 = arith.constant 16 : i32
      %mul3A_83 = arith.muli %scan3A_79, %mul3A_82 : i32
      %swap3A_84 = arith.index_cast %mul3A_83 : i32 to index
      %swap3A_85 = tpu.vector_load %arg6[%swap3A_84] {strides = array<i32>} : memref<10000xf32, #tpu.memory_space<vmem>>, vector<16xf32>,
      tpu.vector_store %arg6[%swap3A_84], %broadcast_in_dim3A_81 {strides = array<i32>} : memref<10000xf32, #tpu.memory_space<vmem>>, vector<16xf32>,
      %scan3A_86 = arith.constant 0 : i32
      %scan3A_87 = arith.constant 2 : i32
      %scan3A_88 = arith.addi %scan3A_69, %scan3A_87 : i32
      %broadcast_in_dim3A_89 = arith.constant 0.000000e+00 : f32
      %broadcast_in_dim3A_90 = vector.broadcast %broadcast_in_dim3A_89 : f32 to vector<16xf32>
      %mul3A_91 = arith.constant 16 : i32
      %mul3A_92 = arith.muli %scan3A_88, %mul3A_91 : i32
      %swap3A_93 = arith.index_cast %mul3A_92 : i32 to index
      %swap3A_94 = tpu.vector_load %arg6[%swap3A_93] {strides = array<i32>} : memref<10000xf32, #tpu.memory_space<vmem>>, vector<16xf32>,
      tpu.vector_store %arg6[%swap3A_93], %broadcast_in_dim3A_90 {strides = array<i32>} : memref<10000xf32, #tpu.memory_space<vmem>>, vector<16xf32>,
      %scan3A_95 = arith.constant 0 : i32
      %scan3A_96 = arith.constant 3 : i32
      %scan3A_97 = arith.addi %scan3A_69, %scan3A_96 : i32
      %broadcast_in_dim3A_98 = arith.constant 0.000000e+00 : f32
      %broadcast_in_dim3A_99 = vector.broadcast %broadcast_in_dim3A_98 : f32 to vector<16xf32>
      %mul3A_100 = arith.constant 16 : i32
      %mul3A_101 = arith.muli %scan3A_97, %mul3A_100 : i32
      %swap3A_102 = arith.index_cast %mul3A_101 : i32 to index
      %swap3A_103 = tpu.vector_load %arg6[%swap3A_102] {strides = array<i32>} : memref<10000xf32, #tpu.memory_space<vmem>>, vector<16xf32>,
      tpu.vector_store %arg6[%swap3A_102], %broadcast_in_dim3A_99 {strides = array<i32>} : memref<10000xf32, #tpu.memory_space<vmem>>, vector<16xf32>,
      %scan3A_104 = arith.constant 0 : i32
      %scan3A_105 = arith.constant 4 : i32
      %scan3A_106 = arith.addi %scan3A_69, %scan3A_105 : i32
      %broadcast_in_dim3A_107 = arith.constant 0.000000e+00 : f32
      %broadcast_in_dim3A_108 = vector.broadcast %broadcast_in_dim3A_107 : f32 to vector<16xf32>
      %mul3A_109 = arith.constant 16 : i32
      %mul3A_110 = arith.muli %scan3A_106, %mul3A_109 : i32
      %swap3A_111 = arith.index_cast %mul3A_110 : i32 to index
      %swap3A_112 = tpu.vector_load %arg6[%swap3A_111] {strides = array<i32>} : memref<10000xf32, #tpu.memory_space<vmem>>, vector<16xf32>,
      tpu.vector_store %arg6[%swap3A_111], %broadcast_in_dim3A_108 {strides = array<i32>} : memref<10000xf32, #tpu.memory_space<vmem>>, vector<16xf32>,
      %scan3A_113 = arith.constant 0 : i32
      %scan3A_114 = arith.constant 5 : i32
      %scan3A_115 = arith.addi %scan3A_69, %scan3A_114 : i32
      %broadcast_in_dim3A_116 = arith.constant 0.000000e+00 : f32
      %broadcast_in_dim3A_117 = vector.broadcast %broadcast_in_dim3A_116 : f32 to vector<16xf32>
      %mul3A_118 = arith.constant 16 : i32
      %mul3A_119 = arith.muli %scan3A_115, %mul3A_118 : i32
      %swap3A_120 = arith.index_cast %mul3A_119 : i32 to index
      %swap3A_121 = tpu.vector_load %arg6[%swap3A_120] {strides = array<i32>} : memref<10000xf32, #tpu.memory_space<vmem>>, vector<16xf32>,
      tpu.vector_store %arg6[%swap3A_120], %broadcast_in_dim3A_117 {strides = array<i32>} : memref<10000xf32, #tpu.memory_space<vmem>>, vector<16xf32>,
      %scan3A_122 = arith.constant 0 : i32
      %scan3A_123 = arith.constant 6 : i32
      %scan3A_124 = arith.addi %scan3A_69, %scan3A_123 : i32
      %broadcast_in_dim3A_125 = arith.constant 0.000000e+00 : f32
      %broadcast_in_dim3A_126 = vector.broadcast %broadcast_in_dim3A_125 : f32 to vector<16xf32>
      %mul3A_127 = arith.constant 16 : i32
      %mul3A_128 = arith.muli %scan3A_124, %mul3A_127 : i32
      %swap3A_129 = arith.index_cast %mul3A_128 : i32 to index
      %swap3A_130 = tpu.vector_load %arg6[%swap3A_129] {strides = array<i32>} : memref<10000xf32, #tpu.memory_space<vmem>>, vector<16xf32>,
      tpu.vector_store %arg6[%swap3A_129], %broadcast_in_dim3A_126 {strides = array<i32>} : memref<10000xf32, #tpu.memory_space<vmem>>, vector<16xf32>,
      %scan3A_131 = arith.constant 0 : i32
      %scan3A_132 = arith.constant 7 : i32
      %scan3A_133 = arith.addi %scan3A_69, %scan3A_132 : i32
      %broadcast_in_dim3A_134 = arith.constant 0.000000e+00 : f32
      %broadcast_in_dim3A_135 = vector.broadcast %broadcast_in_dim3A_134 : f32 to vector<16xf32>
      %mul3A_136 = arith.constant 16 : i32
      %mul3A_137 = arith.muli %scan3A_133, %mul3A_136 : i32
      %swap3A_138 = arith.index_cast %mul3A_137 : i32 to index
      %swap3A_139 = tpu.vector_load %arg6[%swap3A_138] {strides = array<i32>} : memref<10000xf32, #tpu.memory_space<vmem>>, vector<16xf32>,
      tpu.vector_store %arg6[%swap3A_138], %broadcast_in_dim3A_135 {strides = array<i32>} : memref<10000xf32, #tpu.memory_space<vmem>>, vector<16xf32>,
      %scan3A_140 = arith.constant 0 : i32
      scf.yield %scan3A_140 : i32
    }
    %scan3A_31 = arith.constant 624 : i32
    %scan3A_32 = arith.addi %scan3A_26, %scan3A_31 : i32
    %broadcast_in_dim3A = arith.constant 0.000000e+00 : f32
    %broadcast_in_dim3A_33 = vector.broadcast %broadcast_in_dim3A : f32 to vector<16xf32>
    %mul3A_34 = arith.constant 16 : i32
    %mul3A_35 = arith.muli %scan3A_32, %mul3A_34 : i32
    %swap3A = arith.index_cast %mul3A_35 : i32 to index
    %swap3A_36 = tpu.vector_load %arg6[%swap3A] {strides = array<i32>} : memref<10000xf32, #tpu.memory_space<vmem>>, vector<16xf32>,
    tpu.vector_store %arg6[%swap3A], %broadcast_in_dim3A_33 {strides = array<i32>} : memref<10000xf32, #tpu.memory_space<vmem>>, vector<16xf32>,
    %scan3A_37 = arith.constant 0 : i32
    %scan3A_38 = arith.constant 625 : i32
    %dma_wait3A = arith.constant 0 : i32
    %dma_wait3A_39 = tpu.memref_slice %arg2[%dma_wait3A, %min3A_21] : memref<2x320000xi32, #tpu.memory_space<hbm>> -> memref<2x10112xi32, #tpu.memory_space<hbm>>
    %dma_wait3A_40 = arith.constant 0 : i32
    %dma_wait3A_41 = tpu.memref_slice %arg2[%dma_wait3A_40, %min3A_21] : memref<2x320000xi32, #tpu.memory_space<hbm>> -> memref<2x10112xi32, #tpu.memory_space<hbm>>
    tpu.wait_dma2 semaphore(%arg8 : memref<!tpu.dma_semaphore, #tpu.memory_space<semaphore_mem>>) src(%dma_wait3A_41 : memref<2x10112xi32, #tpu.memory_space<hbm>>) dst(%arg5 : memref<2x10112xi32, #tpu.memory_space<vmem>>)
    tpu.wait_dma2 semaphore(%arg8 : memref<!tpu.dma_semaphore, #tpu.memory_space<semaphore_mem>>) src(%arg3 : memref<10000xf32, #tpu.memory_space<hbm>>) dst(%arg7 : memref<10000xf32, #tpu.memory_space<vmem>>)
    %broadcast_in_dim3A_42 = arith.constant 1.000000e+00 : f32
    %broadcast_in_dim3A_43 = vector.broadcast %broadcast_in_dim3A_42 : f32 to vector<16xf32>
    %scan3A_44 = arith.constant 0 : i32
    %scan3A_45 = arith.constant 0 : i32
    %scan3A_46 = arith.constant 624 : i32
    %scan3A_47 = arith.addi %scan3A_45, %scan3A_46 : i32
    %scan3A_48 = arith.constant 16 : i32
    %scan3A_49 = scf.for %scan3A_69 = %scan3A_45 to %scan3A_47 step %scan3A_48 iter_args(%scan3A_70 = %scan3A_44) -> (i32)  : i32 {
      %mul3A_71 = arith.constant 16 : i32
      %mul3A_72 = arith.muli %scan3A_69, %mul3A_71 : i32
      %add3A_73 = arith.addi %sub3A_22, %mul3A_72 : i32
      %get3A_74 = arith.constant 1 : i32
      %get3A_75 = arith.index_cast %get3A_74 : i32 to index
      %get3A_76 = arith.index_cast %add3A_73 : i32 to index
      %get3A_77 = tpu.vector_load %arg5[%get3A_75, %get3A_76] {strides = array<i32>} : memref<2x10112xi32, #tpu.memory_space<vmem>>, vector<16xi32>,
      %mul3A_78 = arith.constant 16 : i32
      %mul3A_79 = arith.muli %scan3A_69, %mul3A_78 : i32
      %add3A_80 = arith.addi %sub3A_22, %mul3A_79 : i32
      %get3A_81 = arith.constant 0 : i32
      %get3A_82 = arith.index_cast %get3A_81 : i32 to index
      %get3A_83 = arith.index_cast %add3A_80 : i32 to index
      %get3A_84 = tpu.vector_load %arg5[%get3A_82, %get3A_83] {strides = array<i32>} : memref<2x10112xi32, #tpu.memory_space<vmem>>, vector<16xi32>,
      %gather3A_85 = tpu.vector_load_idx %arg7[%get3A_84] : memref<10000xf32, #tpu.memory_space<vmem>>[vector<16xi32>], vector<16xf32>,
      tpu.vector_store_idx %arg6[%get3A_77], %gather3A_85 {add = true} : memref<10000xf32, #tpu.memory_space<vmem>>[vector<16xi32>], vector<16xf32>,
      %scan3A_86 = arith.constant 0 : i32
      %scan3A_87 = arith.constant 1 : i32
      %scan3A_88 = arith.addi %scan3A_69, %scan3A_87 : i32
      %mul3A_89 = arith.constant 16 : i32
      %mul3A_90 = arith.muli %scan3A_88, %mul3A_89 : i32
      %add3A_91 = arith.addi %sub3A_22, %mul3A_90 : i32
      %get3A_92 = arith.constant 1 : i32
      %get3A_93 = arith.index_cast %get3A_92 : i32 to index
      %get3A_94 = arith.index_cast %add3A_91 : i32 to index
      %get3A_95 = tpu.vector_load %arg5[%get3A_93, %get3A_94] {strides = array<i32>} : memref<2x10112xi32, #tpu.memory_space<vmem>>, vector<16xi32>,
      %mul3A_96 = arith.constant 16 : i32
      %mul3A_97 = arith.muli %scan3A_88, %mul3A_96 : i32
      %add3A_98 = arith.addi %sub3A_22, %mul3A_97 : i32
      %get3A_99 = arith.constant 0 : i32
      %get3A_100 = arith.index_cast %get3A_99 : i32 to index
      %get3A_101 = arith.index_cast %add3A_98 : i32 to index
      %get3A_102 = tpu.vector_load %arg5[%get3A_100, %get3A_101] {strides = array<i32>} : memref<2x10112xi32, #tpu.memory_space<vmem>>, vector<16xi32>,
      %gather3A_103 = tpu.vector_load_idx %arg7[%get3A_102] : memref<10000xf32, #tpu.memory_space<vmem>>[vector<16xi32>], vector<16xf32>,
      tpu.vector_store_idx %arg6[%get3A_95], %gather3A_103 {add = true} : memref<10000xf32, #tpu.memory_space<vmem>>[vector<16xi32>], vector<16xf32>,
      %scan3A_104 = arith.constant 0 : i32
      %scan3A_105 = arith.constant 2 : i32
      %scan3A_106 = arith.addi %scan3A_69, %scan3A_105 : i32
      %mul3A_107 = arith.constant 16 : i32
      %mul3A_108 = arith.muli %scan3A_106, %mul3A_107 : i32
      %add3A_109 = arith.addi %sub3A_22, %mul3A_108 : i32
      %get3A_110 = arith.constant 1 : i32
      %get3A_111 = arith.index_cast %get3A_110 : i32 to index
      %get3A_112 = arith.index_cast %add3A_109 : i32 to index
      %get3A_113 = tpu.vector_load %arg5[%get3A_111, %get3A_112] {strides = array<i32>} : memref<2x10112xi32, #tpu.memory_space<vmem>>, vector<16xi32>,
      %mul3A_114 = arith.constant 16 : i32
      %mul3A_115 = arith.muli %scan3A_106, %mul3A_114 : i32
      %add3A_116 = arith.addi %sub3A_22, %mul3A_115 : i32
      %get3A_117 = arith.constant 0 : i32
      %get3A_118 = arith.index_cast %get3A_117 : i32 to index
      %get3A_119 = arith.index_cast %add3A_116 : i32 to index
      %get3A_120 = tpu.vector_load %arg5[%get3A_118, %get3A_119] {strides = array<i32>} : memref<2x10112xi32, #tpu.memory_space<vmem>>, vector<16xi32>,
      %gather3A_121 = tpu.vector_load_idx %arg7[%get3A_120] : memref<10000xf32, #tpu.memory_space<vmem>>[vector<16xi32>], vector<16xf32>,
      tpu.vector_store_idx %arg6[%get3A_113], %gather3A_121 {add = true} : memref<10000xf32, #tpu.memory_space<vmem>>[vector<16xi32>], vector<16xf32>,
      %scan3A_122 = arith.constant 0 : i32
      %scan3A_123 = arith.constant 3 : i32
      %scan3A_124 = arith.addi %scan3A_69, %scan3A_123 : i32
      %mul3A_125 = arith.constant 16 : i32
      %mul3A_126 = arith.muli %scan3A_124, %mul3A_125 : i32
      %add3A_127 = arith.addi %sub3A_22, %mul3A_126 : i32
      %get3A_128 = arith.constant 1 : i32
      %get3A_129 = arith.index_cast %get3A_128 : i32 to index
      %get3A_130 = arith.index_cast %add3A_127 : i32 to index
      %get3A_131 = tpu.vector_load %arg5[%get3A_129, %get3A_130] {strides = array<i32>} : memref<2x10112xi32, #tpu.memory_space<vmem>>, vector<16xi32>,
      %mul3A_132 = arith.constant 16 : i32
      %mul3A_133 = arith.muli %scan3A_124, %mul3A_132 : i32
      %add3A_134 = arith.addi %sub3A_22, %mul3A_133 : i32
      %get3A_135 = arith.constant 0 : i32
      %get3A_136 = arith.index_cast %get3A_135 : i32 to index
      %get3A_137 = arith.index_cast %add3A_134 : i32 to index
      %get3A_138 = tpu.vector_load %arg5[%get3A_136, %get3A_137] {strides = array<i32>} : memref<2x10112xi32, #tpu.memory_space<vmem>>, vector<16xi32>,
      %gather3A_139 = tpu.vector_load_idx %arg7[%get3A_138] : memref<10000xf32, #tpu.memory_space<vmem>>[vector<16xi32>], vector<16xf32>,
      tpu.vector_store_idx %arg6[%get3A_131], %gather3A_139 {add = true} : memref<10000xf32, #tpu.memory_space<vmem>>[vector<16xi32>], vector<16xf32>,
      %scan3A_140 = arith.constant 0 : i32
      %scan3A_141 = arith.constant 4 : i32
      %scan3A_142 = arith.addi %scan3A_69, %scan3A_141 : i32
      %mul3A_143 = arith.constant 16 : i32
      %mul3A_144 = arith.muli %scan3A_142, %mul3A_143 : i32
      %add3A_145 = arith.addi %sub3A_22, %mul3A_144 : i32
      %get3A_146 = arith.constant 1 : i32
      %get3A_147 = arith.index_cast %get3A_146 : i32 to index
      %get3A_148 = arith.index_cast %add3A_145 : i32 to index
      %get3A_149 = tpu.vector_load %arg5[%get3A_147, %get3A_148] {strides = array<i32>} : memref<2x10112xi32, #tpu.memory_space<vmem>>, vector<16xi32>,
      %mul3A_150 = arith.constant 16 : i32
      %mul3A_151 = arith.muli %scan3A_142, %mul3A_150 : i32
      %add3A_152 = arith.addi %sub3A_22, %mul3A_151 : i32
      %get3A_153 = arith.constant 0 : i32
      %get3A_154 = arith.index_cast %get3A_153 : i32 to index
      %get3A_155 = arith.index_cast %add3A_152 : i32 to index
      %get3A_156 = tpu.vector_load %arg5[%get3A_154, %get3A_155] {strides = array<i32>} : memref<2x10112xi32, #tpu.memory_space<vmem>>, vector<16xi32>,
      %gather3A_157 = tpu.vector_load_idx %arg7[%get3A_156] : memref<10000xf32, #tpu.memory_space<vmem>>[vector<16xi32>], vector<16xf32>,
      tpu.vector_store_idx %arg6[%get3A_149], %gather3A_157 {add = true} : memref<10000xf32, #tpu.memory_space<vmem>>[vector<16xi32>], vector<16xf32>,
      %scan3A_158 = arith.constant 0 : i32
      %scan3A_159 = arith.constant 5 : i32
      %scan3A_160 = arith.addi %scan3A_69, %scan3A_159 : i32
      %mul3A_161 = arith.constant 16 : i32
      %mul3A_162 = arith.muli %scan3A_160, %mul3A_161 : i32
      %add3A_163 = arith.addi %sub3A_22, %mul3A_162 : i32
      %get3A_164 = arith.constant 1 : i32
      %get3A_165 = arith.index_cast %get3A_164 : i32 to index
      %get3A_166 = arith.index_cast %add3A_163 : i32 to index
      %get3A_167 = tpu.vector_load %arg5[%get3A_165, %get3A_166] {strides = array<i32>} : memref<2x10112xi32, #tpu.memory_space<vmem>>, vector<16xi32>,
      %mul3A_168 = arith.constant 16 : i32
      %mul3A_169 = arith.muli %scan3A_160, %mul3A_168 : i32
      %add3A_170 = arith.addi %sub3A_22, %mul3A_169 : i32
      %get3A_171 = arith.constant 0 : i32
      %get3A_172 = arith.index_cast %get3A_171 : i32 to index
      %get3A_173 = arith.index_cast %add3A_170 : i32 to index
      %get3A_174 = tpu.vector_load %arg5[%get3A_172, %get3A_173] {strides = array<i32>} : memref<2x10112xi32, #tpu.memory_space<vmem>>, vector<16xi32>,
      %gather3A_175 = tpu.vector_load_idx %arg7[%get3A_174] : memref<10000xf32, #tpu.memory_space<vmem>>[vector<16xi32>], vector<16xf32>,
      tpu.vector_store_idx %arg6[%get3A_167], %gather3A_175 {add = true} : memref<10000xf32, #tpu.memory_space<vmem>>[vector<16xi32>], vector<16xf32>,
      %scan3A_176 = arith.constant 0 : i32
      %scan3A_177 = arith.constant 6 : i32
      %scan3A_178 = arith.addi %scan3A_69, %scan3A_177 : i32
      %mul3A_179 = arith.constant 16 : i32
      %mul3A_180 = arith.muli %scan3A_178, %mul3A_179 : i32
      %add3A_181 = arith.addi %sub3A_22, %mul3A_180 : i32
      %get3A_182 = arith.constant 1 : i32
      %get3A_183 = arith.index_cast %get3A_182 : i32 to index
      %get3A_184 = arith.index_cast %add3A_181 : i32 to index
      %get3A_185 = tpu.vector_load %arg5[%get3A_183, %get3A_184] {strides = array<i32>} : memref<2x10112xi32, #tpu.memory_space<vmem>>, vector<16xi32>,
      %mul3A_186 = arith.constant 16 : i32
      %mul3A_187 = arith.muli %scan3A_178, %mul3A_186 : i32
      %add3A_188 = arith.addi %sub3A_22, %mul3A_187 : i32
      %get3A_189 = arith.constant 0 : i32
      %get3A_190 = arith.index_cast %get3A_189 : i32 to index
      %get3A_191 = arith.index_cast %add3A_188 : i32 to index
      %get3A_192 = tpu.vector_load %arg5[%get3A_190, %get3A_191] {strides = array<i32>} : memref<2x10112xi32, #tpu.memory_space<vmem>>, vector<16xi32>,
      %gather3A_193 = tpu.vector_load_idx %arg7[%get3A_192] : memref<10000xf32, #tpu.memory_space<vmem>>[vector<16xi32>], vector<16xf32>,
      tpu.vector_store_idx %arg6[%get3A_185], %gather3A_193 {add = true} : memref<10000xf32, #tpu.memory_space<vmem>>[vector<16xi32>], vector<16xf32>,
      %scan3A_194 = arith.constant 0 : i32
      %scan3A_195 = arith.constant 7 : i32
      %scan3A_196 = arith.addi %scan3A_69, %scan3A_195 : i32
      %mul3A_197 = arith.constant 16 : i32
      %mul3A_198 = arith.muli %scan3A_196, %mul3A_197 : i32
      %add3A_199 = arith.addi %sub3A_22, %mul3A_198 : i32
      %get3A_200 = arith.constant 1 : i32
      %get3A_201 = arith.index_cast %get3A_200 : i32 to index
      %get3A_202 = arith.index_cast %add3A_199 : i32 to index
      %get3A_203 = tpu.vector_load %arg5[%get3A_201, %get3A_202] {strides = array<i32>} : memref<2x10112xi32, #tpu.memory_space<vmem>>, vector<16xi32>,
      %mul3A_204 = arith.constant 16 : i32
      %mul3A_205 = arith.muli %scan3A_196, %mul3A_204 : i32
      %add3A_206 = arith.addi %sub3A_22, %mul3A_205 : i32
      %get3A_207 = arith.constant 0 : i32
      %get3A_208 = arith.index_cast %get3A_207 : i32 to index
      %get3A_209 = arith.index_cast %add3A_206 : i32 to index
      %get3A_210 = tpu.vector_load %arg5[%get3A_208, %get3A_209] {strides = array<i32>} : memref<2x10112xi32, #tpu.memory_space<vmem>>, vector<16xi32>,
      %gather3A_211 = tpu.vector_load_idx %arg7[%get3A_210] : memref<10000xf32, #tpu.memory_space<vmem>>[vector<16xi32>], vector<16xf32>,
      tpu.vector_store_idx %arg6[%get3A_203], %gather3A_211 {add = true} : memref<10000xf32, #tpu.memory_space<vmem>>[vector<16xi32>], vector<16xf32>,
      %scan3A_212 = arith.constant 0 : i32
      %scan3A_213 = arith.constant 8 : i32
      %scan3A_214 = arith.addi %scan3A_69, %scan3A_213 : i32
      %mul3A_215 = arith.constant 16 : i32
      %mul3A_216 = arith.muli %scan3A_214, %mul3A_215 : i32
      %add3A_217 = arith.addi %sub3A_22, %mul3A_216 : i32
      %get3A_218 = arith.constant 1 : i32
      %get3A_219 = arith.index_cast %get3A_218 : i32 to index
      %get3A_220 = arith.index_cast %add3A_217 : i32 to index
      %get3A_221 = tpu.vector_load %arg5[%get3A_219, %get3A_220] {strides = array<i32>} : memref<2x10112xi32, #tpu.memory_space<vmem>>, vector<16xi32>,
      %mul3A_222 = arith.constant 16 : i32
      %mul3A_223 = arith.muli %scan3A_214, %mul3A_222 : i32
      %add3A_224 = arith.addi %sub3A_22, %mul3A_223 : i32
      %get3A_225 = arith.constant 0 : i32
      %get3A_226 = arith.index_cast %get3A_225 : i32 to index
      %get3A_227 = arith.index_cast %add3A_224 : i32 to index
      %get3A_228 = tpu.vector_load %arg5[%get3A_226, %get3A_227] {strides = array<i32>} : memref<2x10112xi32, #tpu.memory_space<vmem>>, vector<16xi32>,
      %gather3A_229 = tpu.vector_load_idx %arg7[%get3A_228] : memref<10000xf32, #tpu.memory_space<vmem>>[vector<16xi32>], vector<16xf32>,
      tpu.vector_store_idx %arg6[%get3A_221], %gather3A_229 {add = true} : memref<10000xf32, #tpu.memory_space<vmem>>[vector<16xi32>], vector<16xf32>,
      %scan3A_230 = arith.constant 0 : i32
      %scan3A_231 = arith.constant 9 : i32
      %scan3A_232 = arith.addi %scan3A_69, %scan3A_231 : i32
      %mul3A_233 = arith.constant 16 : i32
      %mul3A_234 = arith.muli %scan3A_232, %mul3A_233 : i32
      %add3A_235 = arith.addi %sub3A_22, %mul3A_234 : i32
      %get3A_236 = arith.constant 1 : i32
      %get3A_237 = arith.index_cast %get3A_236 : i32 to index
      %get3A_238 = arith.index_cast %add3A_235 : i32 to index
      %get3A_239 = tpu.vector_load %arg5[%get3A_237, %get3A_238] {strides = array<i32>} : memref<2x10112xi32, #tpu.memory_space<vmem>>, vector<16xi32>,
      %mul3A_240 = arith.constant 16 : i32
      %mul3A_241 = arith.muli %scan3A_232, %mul3A_240 : i32
      %add3A_242 = arith.addi %sub3A_22, %mul3A_241 : i32
      %get3A_243 = arith.constant 0 : i32
      %get3A_244 = arith.index_cast %get3A_243 : i32 to index
      %get3A_245 = arith.index_cast %add3A_242 : i32 to index
      %get3A_246 = tpu.vector_load %arg5[%get3A_244, %get3A_245] {strides = array<i32>} : memref<2x10112xi32, #tpu.memory_space<vmem>>, vector<16xi32>,
      %gather3A_247 = tpu.vector_load_idx %arg7[%get3A_246] : memref<10000xf32, #tpu.memory_space<vmem>>[vector<16xi32>], vector<16xf32>,
      tpu.vector_store_idx %arg6[%get3A_239], %gather3A_247 {add = true} : memref<10000xf32, #tpu.memory_space<vmem>>[vector<16xi32>], vector<16xf32>,
      %scan3A_248 = arith.constant 0 : i32
      %scan3A_249 = arith.constant 10 : i32
      %scan3A_250 = arith.addi %scan3A_69, %scan3A_249 : i32
      %mul3A_251 = arith.constant 16 : i32
      %mul3A_252 = arith.muli %scan3A_250, %mul3A_251 : i32
      %add3A_253 = arith.addi %sub3A_22, %mul3A_252 : i32
      %get3A_254 = arith.constant 1 : i32
      %get3A_255 = arith.index_cast %get3A_254 : i32 to index
      %get3A_256 = arith.index_cast %add3A_253 : i32 to index
      %get3A_257 = tpu.vector_load %arg5[%get3A_255, %get3A_256] {strides = array<i32>} : memref<2x10112xi32, #tpu.memory_space<vmem>>, vector<16xi32>,
      %mul3A_258 = arith.constant 16 : i32
      %mul3A_259 = arith.muli %scan3A_250, %mul3A_258 : i32
      %add3A_260 = arith.addi %sub3A_22, %mul3A_259 : i32
      %get3A_261 = arith.constant 0 : i32
      %get3A_262 = arith.index_cast %get3A_261 : i32 to index
      %get3A_263 = arith.index_cast %add3A_260 : i32 to index
      %get3A_264 = tpu.vector_load %arg5[%get3A_262, %get3A_263] {strides = array<i32>} : memref<2x10112xi32, #tpu.memory_space<vmem>>, vector<16xi32>,
      %gather3A_265 = tpu.vector_load_idx %arg7[%get3A_264] : memref<10000xf32, #tpu.memory_space<vmem>>[vector<16xi32>], vector<16xf32>,
      tpu.vector_store_idx %arg6[%get3A_257], %gather3A_265 {add = true} : memref<10000xf32, #tpu.memory_space<vmem>>[vector<16xi32>], vector<16xf32>,
      %scan3A_266 = arith.constant 0 : i32
      %scan3A_267 = arith.constant 11 : i32
      %scan3A_268 = arith.addi %scan3A_69, %scan3A_267 : i32
      %mul3A_269 = arith.constant 16 : i32
      %mul3A_270 = arith.muli %scan3A_268, %mul3A_269 : i32
      %add3A_271 = arith.addi %sub3A_22, %mul3A_270 : i32
      %get3A_272 = arith.constant 1 : i32
      %get3A_273 = arith.index_cast %get3A_272 : i32 to index
      %get3A_274 = arith.index_cast %add3A_271 : i32 to index
      %get3A_275 = tpu.vector_load %arg5[%get3A_273, %get3A_274] {strides = array<i32>} : memref<2x10112xi32, #tpu.memory_space<vmem>>, vector<16xi32>,
      %mul3A_276 = arith.constant 16 : i32
      %mul3A_277 = arith.muli %scan3A_268, %mul3A_276 : i32
      %add3A_278 = arith.addi %sub3A_22, %mul3A_277 : i32
      %get3A_279 = arith.constant 0 : i32
      %get3A_280 = arith.index_cast %get3A_279 : i32 to index
      %get3A_281 = arith.index_cast %add3A_278 : i32 to index
      %get3A_282 = tpu.vector_load %arg5[%get3A_280, %get3A_281] {strides = array<i32>} : memref<2x10112xi32, #tpu.memory_space<vmem>>, vector<16xi32>,
      %gather3A_283 = tpu.vector_load_idx %arg7[%get3A_282] : memref<10000xf32, #tpu.memory_space<vmem>>[vector<16xi32>], vector<16xf32>,
      tpu.vector_store_idx %arg6[%get3A_275], %gather3A_283 {add = true} : memref<10000xf32, #tpu.memory_space<vmem>>[vector<16xi32>], vector<16xf32>,
      %scan3A_284 = arith.constant 0 : i32
      %scan3A_285 = arith.constant 12 : i32
      %scan3A_286 = arith.addi %scan3A_69, %scan3A_285 : i32
      %mul3A_287 = arith.constant 16 : i32
      %mul3A_288 = arith.muli %scan3A_286, %mul3A_287 : i32
      %add3A_289 = arith.addi %sub3A_22, %mul3A_288 : i32
      %get3A_290 = arith.constant 1 : i32
      %get3A_291 = arith.index_cast %get3A_290 : i32 to index
      %get3A_292 = arith.index_cast %add3A_289 : i32 to index
      %get3A_293 = tpu.vector_load %arg5[%get3A_291, %get3A_292] {strides = array<i32>} : memref<2x10112xi32, #tpu.memory_space<vmem>>, vector<16xi32>,
      %mul3A_294 = arith.constant 16 : i32
      %mul3A_295 = arith.muli %scan3A_286, %mul3A_294 : i32
      %add3A_296 = arith.addi %sub3A_22, %mul3A_295 : i32
      %get3A_297 = arith.constant 0 : i32
      %get3A_298 = arith.index_cast %get3A_297 : i32 to index
      %get3A_299 = arith.index_cast %add3A_296 : i32 to index
      %get3A_300 = tpu.vector_load %arg5[%get3A_298, %get3A_299] {strides = array<i32>} : memref<2x10112xi32, #tpu.memory_space<vmem>>, vector<16xi32>,
      %gather3A_301 = tpu.vector_load_idx %arg7[%get3A_300] : memref<10000xf32, #tpu.memory_space<vmem>>[vector<16xi32>], vector<16xf32>,
      tpu.vector_store_idx %arg6[%get3A_293], %gather3A_301 {add = true} : memref<10000xf32, #tpu.memory_space<vmem>>[vector<16xi32>], vector<16xf32>,
      %scan3A_302 = arith.constant 0 : i32
      %scan3A_303 = arith.constant 13 : i32
      %scan3A_304 = arith.addi %scan3A_69, %scan3A_303 : i32
      %mul3A_305 = arith.constant 16 : i32
      %mul3A_306 = arith.muli %scan3A_304, %mul3A_305 : i32
      %add3A_307 = arith.addi %sub3A_22, %mul3A_306 : i32
      %get3A_308 = arith.constant 1 : i32
      %get3A_309 = arith.index_cast %get3A_308 : i32 to index
      %get3A_310 = arith.index_cast %add3A_307 : i32 to index
      %get3A_311 = tpu.vector_load %arg5[%get3A_309, %get3A_310] {strides = array<i32>} : memref<2x10112xi32, #tpu.memory_space<vmem>>, vector<16xi32>,
      %mul3A_312 = arith.constant 16 : i32
      %mul3A_313 = arith.muli %scan3A_304, %mul3A_312 : i32
      %add3A_314 = arith.addi %sub3A_22, %mul3A_313 : i32
      %get3A_315 = arith.constant 0 : i32
      %get3A_316 = arith.index_cast %get3A_315 : i32 to index
      %get3A_317 = arith.index_cast %add3A_314 : i32 to index
      %get3A_318 = tpu.vector_load %arg5[%get3A_316, %get3A_317] {strides = array<i32>} : memref<2x10112xi32, #tpu.memory_space<vmem>>, vector<16xi32>,
      %gather3A_319 = tpu.vector_load_idx %arg7[%get3A_318] : memref<10000xf32, #tpu.memory_space<vmem>>[vector<16xi32>], vector<16xf32>,
      tpu.vector_store_idx %arg6[%get3A_311], %gather3A_319 {add = true} : memref<10000xf32, #tpu.memory_space<vmem>>[vector<16xi32>], vector<16xf32>,
      %scan3A_320 = arith.constant 0 : i32
      %scan3A_321 = arith.constant 14 : i32
      %scan3A_322 = arith.addi %scan3A_69, %scan3A_321 : i32
      %mul3A_323 = arith.constant 16 : i32
      %mul3A_324 = arith.muli %scan3A_322, %mul3A_323 : i32
      %add3A_325 = arith.addi %sub3A_22, %mul3A_324 : i32
      %get3A_326 = arith.constant 1 : i32
      %get3A_327 = arith.index_cast %get3A_326 : i32 to index
      %get3A_328 = arith.index_cast %add3A_325 : i32 to index
      %get3A_329 = tpu.vector_load %arg5[%get3A_327, %get3A_328] {strides = array<i32>} : memref<2x10112xi32, #tpu.memory_space<vmem>>, vector<16xi32>,
      %mul3A_330 = arith.constant 16 : i32
      %mul3A_331 = arith.muli %scan3A_322, %mul3A_330 : i32
      %add3A_332 = arith.addi %sub3A_22, %mul3A_331 : i32
      %get3A_333 = arith.constant 0 : i32
      %get3A_334 = arith.index_cast %get3A_333 : i32 to index
      %get3A_335 = arith.index_cast %add3A_332 : i32 to index
      %get3A_336 = tpu.vector_load %arg5[%get3A_334, %get3A_335] {strides = array<i32>} : memref<2x10112xi32, #tpu.memory_space<vmem>>, vector<16xi32>,
      %gather3A_337 = tpu.vector_load_idx %arg7[%get3A_336] : memref<10000xf32, #tpu.memory_space<vmem>>[vector<16xi32>], vector<16xf32>,
      tpu.vector_store_idx %arg6[%get3A_329], %gather3A_337 {add = true} : memref<10000xf32, #tpu.memory_space<vmem>>[vector<16xi32>], vector<16xf32>,
      %scan3A_338 = arith.constant 0 : i32
      %scan3A_339 = arith.constant 15 : i32
      %scan3A_340 = arith.addi %scan3A_69, %scan3A_339 : i32
      %mul3A_341 = arith.constant 16 : i32
      %mul3A_342 = arith.muli %scan3A_340, %mul3A_341 : i32
      %add3A_343 = arith.addi %sub3A_22, %mul3A_342 : i32
      %get3A_344 = arith.constant 1 : i32
      %get3A_345 = arith.index_cast %get3A_344 : i32 to index
      %get3A_346 = arith.index_cast %add3A_343 : i32 to index
      %get3A_347 = tpu.vector_load %arg5[%get3A_345, %get3A_346] {strides = array<i32>} : memref<2x10112xi32, #tpu.memory_space<vmem>>, vector<16xi32>,
      %mul3A_348 = arith.constant 16 : i32
      %mul3A_349 = arith.muli %scan3A_340, %mul3A_348 : i32
      %add3A_350 = arith.addi %sub3A_22, %mul3A_349 : i32
      %get3A_351 = arith.constant 0 : i32
      %get3A_352 = arith.index_cast %get3A_351 : i32 to index
      %get3A_353 = arith.index_cast %add3A_350 : i32 to index
      %get3A_354 = tpu.vector_load %arg5[%get3A_352, %get3A_353] {strides = array<i32>} : memref<2x10112xi32, #tpu.memory_space<vmem>>, vector<16xi32>,
      %gather3A_355 = tpu.vector_load_idx %arg7[%get3A_354] : memref<10000xf32, #tpu.memory_space<vmem>>[vector<16xi32>], vector<16xf32>,
      tpu.vector_store_idx %arg6[%get3A_347], %gather3A_355 {add = true} : memref<10000xf32, #tpu.memory_space<vmem>>[vector<16xi32>], vector<16xf32>,
      %scan3A_356 = arith.constant 0 : i32
      scf.yield %scan3A_356 : i32
    }
    %scan3A_50 = arith.constant 624 : i32
    %scan3A_51 = arith.addi %scan3A_45, %scan3A_50 : i32
    %mul3A_52 = arith.constant 16 : i32
    %mul3A_53 = arith.muli %scan3A_51, %mul3A_52 : i32
    %add3A_54 = arith.addi %sub3A_22, %mul3A_53 : i32
    %get3A = arith.constant 1 : i32
    %get3A_55 = arith.index_cast %get3A : i32 to index
    %get3A_56 = arith.index_cast %add3A_54 : i32 to index
    %get3A_57 = tpu.vector_load %arg5[%get3A_55, %get3A_56] {strides = array<i32>} : memref<2x10112xi32, #tpu.memory_space<vmem>>, vector<16xi32>,
    %mul3A_58 = arith.constant 16 : i32
    %mul3A_59 = arith.muli %scan3A_51, %mul3A_58 : i32
    %add3A_60 = arith.addi %sub3A_22, %mul3A_59 : i32
    %get3A_61 = arith.constant 0 : i32
    %get3A_62 = arith.index_cast %get3A_61 : i32 to index
    %get3A_63 = arith.index_cast %add3A_60 : i32 to index
    %get3A_64 = tpu.vector_load %arg5[%get3A_62, %get3A_63] {strides = array<i32>} : memref<2x10112xi32, #tpu.memory_space<vmem>>, vector<16xi32>,
    %gather3A = tpu.vector_load_idx %arg7[%get3A_64] : memref<10000xf32, #tpu.memory_space<vmem>>[vector<16xi32>], vector<16xf32>,
    tpu.vector_store_idx %arg6[%get3A_57], %gather3A {add = true} : memref<10000xf32, #tpu.memory_space<vmem>>[vector<16xi32>], vector<16xf32>,
    %scan3A_65 = arith.constant 0 : i32
    %scan3A_66 = arith.constant 625 : i32
    %mul3A_67 = arith.constant 10112 : i32
    %mul3A_68 = arith.muli %add3A, %mul3A_67 : i32
    "tpu.region"() ({
      %run_scoped3A = tpu.sem_alloc : memref<!tpu.dma_semaphore, #tpu.memory_space<semaphore_mem>>
      %dma_start3A_69 = tpu.memref_slice %arg4[%mul3A_68] : memref<323584xf32, #tpu.memory_space<hbm>> -> memref<10000xf32, #tpu.memory_space<hbm>>
      %dma_start3A_70 = tpu.memref_slice %arg4[%mul3A_68] : memref<323584xf32, #tpu.memory_space<hbm>> -> memref<10000xf32, #tpu.memory_space<hbm>>
      tpu.enqueue_dma source(%arg6 : memref<10000xf32, #tpu.memory_space<vmem>>) target(%dma_start3A_70 : memref<10000xf32, #tpu.memory_space<hbm>>) target_semaphore(%run_scoped3A : memref<!tpu.dma_semaphore, #tpu.memory_space<semaphore_mem>>)
      %dma_wait3A_71 = tpu.memref_slice %arg4[%mul3A_68] : memref<323584xf32, #tpu.memory_space<hbm>> -> memref<10000xf32, #tpu.memory_space<hbm>>
      %dma_wait3A_72 = tpu.memref_slice %arg4[%mul3A_68] : memref<323584xf32, #tpu.memory_space<hbm>> -> memref<10000xf32, #tpu.memory_space<hbm>>
      tpu.wait_dma2 semaphore(%run_scoped3A : memref<!tpu.dma_semaphore, #tpu.memory_space<semaphore_mem>>) src(%arg6 : memref<10000xf32, #tpu.memory_space<vmem>>) dst(%dma_wait3A_72 : memref<10000xf32, #tpu.memory_space<hbm>>)
      tpu.yield
    }) : () -> ()
    return
  }
}

#map = affine_map<(d0, d1) -> (0, 0)>
#map1 = affine_map<(d0, d1) -> (0)>
module attributes {stable_mosaic.version = 14 : i64} {
  func.func @seg_kernel(%arg0: i32, %arg1: i32, %arg2: memref<2x320000xi32, #tpu.memory_space<hbm>>, %arg3: memref<10000xf32, #tpu.memory_space<hbm>>, %arg4: memref<323584xf32, #tpu.memory_space<hbm>>, %arg5: memref<2x10112xi32, #tpu.memory_space<vmem>>, %arg6: memref<10000xf32, #tpu.memory_space<vmem>>, %arg7: memref<10000xf32, #tpu.memory_space<vmem>>, %arg8: memref<!tpu.dma_semaphore, #tpu.memory_space<semaphore_mem>>) attributes {dimension_semantics = [#tpu.dimension_semantics<core_parallel>, #tpu.dimension_semantics<subcore_parallel>], iteration_bounds = array<i64: 2, 16>, scalar_prefetch = 0 : i64, scratch_operands = 4 : i64, tpu.core_type = #tpu.core_type<sc_vector_subcore>, window_params = [{transform_indices = #map}, {transform_indices = #map1}, {transform_indices = #map1}]} {
    %mul3A = arith.constant 2 : i32
    %mul3A_0 = arith.muli %arg1, %mul3A : i32
    %add3A = arith.addi %mul3A_0, %arg0 : i32
    %mul3A_1 = arith.constant 10000 : i32
    %mul3A_2 = arith.muli %add3A, %mul3A_1 : i32
    %jit3A = arith.constant 128 : i32
    %div3A = arith.divsi %mul3A_2, %jit3A : i32
    %sign3A = arith.constant 0 : i32
    %sign3A_3 = arith.cmpi sgt, %mul3A_2, %sign3A : i32
    %sign3A_4 = arith.extui %sign3A_3 : i1 to i32
    %sign3A_5 = arith.constant 0 : i32
    %sign3A_6 = arith.cmpi slt, %mul3A_2, %sign3A_5 : i32
    %sign3A_7 = arith.extui %sign3A_6 : i1 to i32
    %sign3A_8 = arith.subi %sign3A_4, %sign3A_7 : i32
    %sign3A_9 = arith.constant 0 : i32
    %sign3A_10 = arith.cmpi sgt, %jit3A, %sign3A_9 : i32
    %sign3A_11 = arith.extui %sign3A_10 : i1 to i32
    %sign3A_12 = arith.constant 0 : i32
    %sign3A_13 = arith.cmpi slt, %jit3A, %sign3A_12 : i32
    %sign3A_14 = arith.extui %sign3A_13 : i1 to i32
    %sign3A_15 = arith.subi %sign3A_11, %sign3A_14 : i32
    %ne3A = arith.cmpi ne, %sign3A_8, %sign3A_15 : i32
    %rem3A = arith.remsi %mul3A_2, %jit3A : i32
    %ne3A_16 = arith.constant 0 : i32
    %ne3A_17 = arith.cmpi ne, %rem3A, %ne3A_16 : i32
    %and3A = arith.andi %ne3A, %ne3A_17 : i1
    %sub3A = arith.constant 1 : i32
    %sub3A_18 = arith.subi %div3A, %sub3A : i32
    %select_n3A = arith.select %and3A, %sub3A_18, %div3A : i32
    %mul3A_19 = arith.constant 128 : i32
    %mul3A_20 = arith.muli %select_n3A, %mul3A_19 : i32
    %min3A = arith.constant 309888 : i32
    %min3A_21 = arith.minsi %mul3A_20, %min3A : i32
    %sub3A_22 = arith.subi %mul3A_2, %min3A_21 : i32
    %dma_start3A = arith.constant 0 : i32
    %dma_start3A_23 = tpu.memref_slice %arg2[%dma_start3A, %min3A_21] : memref<2x320000xi32, #tpu.memory_space<hbm>> -> memref<2x10112xi32, #tpu.memory_space<hbm>>
    %dma_start3A_24 = arith.constant 0 : i32
    %dma_start3A_25 = tpu.memref_slice %arg2[%dma_start3A_24, %min3A_21] : memref<2x320000xi32, #tpu.memory_space<hbm>> -> memref<2x10112xi32, #tpu.memory_space<hbm>>
    tpu.enqueue_dma source(%dma_start3A_25 : memref<2x10112xi32, #tpu.memory_space<hbm>>) target(%arg5 : memref<2x10112xi32, #tpu.memory_space<vmem>>) target_semaphore(%arg8 : memref<!tpu.dma_semaphore, #tpu.memory_space<semaphore_mem>>)
    tpu.enqueue_dma source(%arg3 : memref<10000xf32, #tpu.memory_space<hbm>>) target(%arg7 : memref<10000xf32, #tpu.memory_space<vmem>>) target_semaphore(%arg8 : memref<!tpu.dma_semaphore, #tpu.memory_space<semaphore_mem>>)
    %scan3A = arith.constant 0 : i32
    %scan3A_26 = arith.constant 0 : i32
    %scan3A_27 = arith.constant 624 : i32
    %scan3A_28 = arith.addi %scan3A_26, %scan3A_27 : i32
    %scan3A_29 = arith.constant 8 : i32
    %scan3A_30 = scf.for %scan3A_69 = %scan3A_26 to %scan3A_28 step %scan3A_29 iter_args(%scan3A_70 = %scan3A) -> (i32)  : i32 {
      %broadcast_in_dim3A_71 = arith.constant 0.000000e+00 : f32
      %broadcast_in_dim3A_72 = vector.broadcast %broadcast_in_dim3A_71 : f32 to vector<16xf32>
      %mul3A_73 = arith.constant 16 : i32
      %mul3A_74 = arith.muli %scan3A_69, %mul3A_73 : i32
      %swap3A_75 = arith.index_cast %mul3A_74 : i32 to index
      %swap3A_76 = tpu.vector_load %arg6[%swap3A_75] {strides = array<i32>} : memref<10000xf32, #tpu.memory_space<vmem>>, vector<16xf32>,
      tpu.vector_store %arg6[%swap3A_75], %broadcast_in_dim3A_72 {strides = array<i32>} : memref<10000xf32, #tpu.memory_space<vmem>>, vector<16xf32>,
      %scan3A_77 = arith.constant 0 : i32
      %scan3A_78 = arith.constant 1 : i32
      %scan3A_79 = arith.addi %scan3A_69, %scan3A_78 : i32
      %broadcast_in_dim3A_80 = arith.constant 0.000000e+00 : f32
      %broadcast_in_dim3A_81 = vector.broadcast %broadcast_in_dim3A_80 : f32 to vector<16xf32>
      %mul3A_82 = arith.constant 16 : i32
      %mul3A_83 = arith.muli %scan3A_79, %mul3A_82 : i32
      %swap3A_84 = arith.index_cast %mul3A_83 : i32 to index
      %swap3A_85 = tpu.vector_load %arg6[%swap3A_84] {strides = array<i32>} : memref<10000xf32, #tpu.memory_space<vmem>>, vector<16xf32>,
      tpu.vector_store %arg6[%swap3A_84], %broadcast_in_dim3A_81 {strides = array<i32>} : memref<10000xf32, #tpu.memory_space<vmem>>, vector<16xf32>,
      %scan3A_86 = arith.constant 0 : i32
      %scan3A_87 = arith.constant 2 : i32
      %scan3A_88 = arith.addi %scan3A_69, %scan3A_87 : i32
      %broadcast_in_dim3A_89 = arith.constant 0.000000e+00 : f32
      %broadcast_in_dim3A_90 = vector.broadcast %broadcast_in_dim3A_89 : f32 to vector<16xf32>
      %mul3A_91 = arith.constant 16 : i32
      %mul3A_92 = arith.muli %scan3A_88, %mul3A_91 : i32
      %swap3A_93 = arith.index_cast %mul3A_92 : i32 to index
      %swap3A_94 = tpu.vector_load %arg6[%swap3A_93] {strides = array<i32>} : memref<10000xf32, #tpu.memory_space<vmem>>, vector<16xf32>,
      tpu.vector_store %arg6[%swap3A_93], %broadcast_in_dim3A_90 {strides = array<i32>} : memref<10000xf32, #tpu.memory_space<vmem>>, vector<16xf32>,
      %scan3A_95 = arith.constant 0 : i32
      %scan3A_96 = arith.constant 3 : i32
      %scan3A_97 = arith.addi %scan3A_69, %scan3A_96 : i32
      %broadcast_in_dim3A_98 = arith.constant 0.000000e+00 : f32
      %broadcast_in_dim3A_99 = vector.broadcast %broadcast_in_dim3A_98 : f32 to vector<16xf32>
      %mul3A_100 = arith.constant 16 : i32
      %mul3A_101 = arith.muli %scan3A_97, %mul3A_100 : i32
      %swap3A_102 = arith.index_cast %mul3A_101 : i32 to index
      %swap3A_103 = tpu.vector_load %arg6[%swap3A_102] {strides = array<i32>} : memref<10000xf32, #tpu.memory_space<vmem>>, vector<16xf32>,
      tpu.vector_store %arg6[%swap3A_102], %broadcast_in_dim3A_99 {strides = array<i32>} : memref<10000xf32, #tpu.memory_space<vmem>>, vector<16xf32>,
      %scan3A_104 = arith.constant 0 : i32
      %scan3A_105 = arith.constant 4 : i32
      %scan3A_106 = arith.addi %scan3A_69, %scan3A_105 : i32
      %broadcast_in_dim3A_107 = arith.constant 0.000000e+00 : f32
      %broadcast_in_dim3A_108 = vector.broadcast %broadcast_in_dim3A_107 : f32 to vector<16xf32>
      %mul3A_109 = arith.constant 16 : i32
      %mul3A_110 = arith.muli %scan3A_106, %mul3A_109 : i32
      %swap3A_111 = arith.index_cast %mul3A_110 : i32 to index
      %swap3A_112 = tpu.vector_load %arg6[%swap3A_111] {strides = array<i32>} : memref<10000xf32, #tpu.memory_space<vmem>>, vector<16xf32>,
      tpu.vector_store %arg6[%swap3A_111], %broadcast_in_dim3A_108 {strides = array<i32>} : memref<10000xf32, #tpu.memory_space<vmem>>, vector<16xf32>,
      %scan3A_113 = arith.constant 0 : i32
      %scan3A_114 = arith.constant 5 : i32
      %scan3A_115 = arith.addi %scan3A_69, %scan3A_114 : i32
      %broadcast_in_dim3A_116 = arith.constant 0.000000e+00 : f32
      %broadcast_in_dim3A_117 = vector.broadcast %broadcast_in_dim3A_116 : f32 to vector<16xf32>
      %mul3A_118 = arith.constant 16 : i32
      %mul3A_119 = arith.muli %scan3A_115, %mul3A_118 : i32
      %swap3A_120 = arith.index_cast %mul3A_119 : i32 to index
      %swap3A_121 = tpu.vector_load %arg6[%swap3A_120] {strides = array<i32>} : memref<10000xf32, #tpu.memory_space<vmem>>, vector<16xf32>,
      tpu.vector_store %arg6[%swap3A_120], %broadcast_in_dim3A_117 {strides = array<i32>} : memref<10000xf32, #tpu.memory_space<vmem>>, vector<16xf32>,
      %scan3A_122 = arith.constant 0 : i32
      %scan3A_123 = arith.constant 6 : i32
      %scan3A_124 = arith.addi %scan3A_69, %scan3A_123 : i32
      %broadcast_in_dim3A_125 = arith.constant 0.000000e+00 : f32
      %broadcast_in_dim3A_126 = vector.broadcast %broadcast_in_dim3A_125 : f32 to vector<16xf32>
      %mul3A_127 = arith.constant 16 : i32
      %mul3A_128 = arith.muli %scan3A_124, %mul3A_127 : i32
      %swap3A_129 = arith.index_cast %mul3A_128 : i32 to index
      %swap3A_130 = tpu.vector_load %arg6[%swap3A_129] {strides = array<i32>} : memref<10000xf32, #tpu.memory_space<vmem>>, vector<16xf32>,
      tpu.vector_store %arg6[%swap3A_129], %broadcast_in_dim3A_126 {strides = array<i32>} : memref<10000xf32, #tpu.memory_space<vmem>>, vector<16xf32>,
      %scan3A_131 = arith.constant 0 : i32
      %scan3A_132 = arith.constant 7 : i32
      %scan3A_133 = arith.addi %scan3A_69, %scan3A_132 : i32
      %broadcast_in_dim3A_134 = arith.constant 0.000000e+00 : f32
      %broadcast_in_dim3A_135 = vector.broadcast %broadcast_in_dim3A_134 : f32 to vector<16xf32>
      %mul3A_136 = arith.constant 16 : i32
      %mul3A_137 = arith.muli %scan3A_133, %mul3A_136 : i32
      %swap3A_138 = arith.index_cast %mul3A_137 : i32 to index
      %swap3A_139 = tpu.vector_load %arg6[%swap3A_138] {strides = array<i32>} : memref<10000xf32, #tpu.memory_space<vmem>>, vector<16xf32>,
      tpu.vector_store %arg6[%swap3A_138], %broadcast_in_dim3A_135 {strides = array<i32>} : memref<10000xf32, #tpu.memory_space<vmem>>, vector<16xf32>,
      %scan3A_140 = arith.constant 0 : i32
      scf.yield %scan3A_140 : i32
    }
    %scan3A_31 = arith.constant 624 : i32
    %scan3A_32 = arith.addi %scan3A_26, %scan3A_31 : i32
    %broadcast_in_dim3A = arith.constant 0.000000e+00 : f32
    %broadcast_in_dim3A_33 = vector.broadcast %broadcast_in_dim3A : f32 to vector<16xf32>
    %mul3A_34 = arith.constant 16 : i32
    %mul3A_35 = arith.muli %scan3A_32, %mul3A_34 : i32
    %swap3A = arith.index_cast %mul3A_35 : i32 to index
    %swap3A_36 = tpu.vector_load %arg6[%swap3A] {strides = array<i32>} : memref<10000xf32, #tpu.memory_space<vmem>>, vector<16xf32>,
    tpu.vector_store %arg6[%swap3A], %broadcast_in_dim3A_33 {strides = array<i32>} : memref<10000xf32, #tpu.memory_space<vmem>>, vector<16xf32>,
    %scan3A_37 = arith.constant 0 : i32
    %scan3A_38 = arith.constant 625 : i32
    %dma_wait3A = arith.constant 0 : i32
    %dma_wait3A_39 = tpu.memref_slice %arg2[%dma_wait3A, %min3A_21] : memref<2x320000xi32, #tpu.memory_space<hbm>> -> memref<2x10112xi32, #tpu.memory_space<hbm>>
    %dma_wait3A_40 = arith.constant 0 : i32
    %dma_wait3A_41 = tpu.memref_slice %arg2[%dma_wait3A_40, %min3A_21] : memref<2x320000xi32, #tpu.memory_space<hbm>> -> memref<2x10112xi32, #tpu.memory_space<hbm>>
    tpu.wait_dma2 semaphore(%arg8 : memref<!tpu.dma_semaphore, #tpu.memory_space<semaphore_mem>>) src(%dma_wait3A_41 : memref<2x10112xi32, #tpu.memory_space<hbm>>) dst(%arg5 : memref<2x10112xi32, #tpu.memory_space<vmem>>)
    tpu.wait_dma2 semaphore(%arg8 : memref<!tpu.dma_semaphore, #tpu.memory_space<semaphore_mem>>) src(%arg3 : memref<10000xf32, #tpu.memory_space<hbm>>) dst(%arg7 : memref<10000xf32, #tpu.memory_space<vmem>>)
    %broadcast_in_dim3A_42 = arith.constant 1.000000e+00 : f32
    %broadcast_in_dim3A_43 = vector.broadcast %broadcast_in_dim3A_42 : f32 to vector<16xf32>
    %scan3A_44 = arith.constant 0 : i32
    %scan3A_45 = arith.constant 0 : i32
    %scan3A_46 = arith.constant 624 : i32
    %scan3A_47 = arith.addi %scan3A_45, %scan3A_46 : i32
    %scan3A_48 = arith.constant 16 : i32
    %scan3A_49 = scf.for %scan3A_69 = %scan3A_45 to %scan3A_47 step %scan3A_48 iter_args(%scan3A_70 = %scan3A_44) -> (i32)  : i32 {
      %mul3A_71 = arith.constant 16 : i32
      %mul3A_72 = arith.muli %scan3A_69, %mul3A_71 : i32
      %add3A_73 = arith.addi %sub3A_22, %mul3A_72 : i32
      %get3A_74 = arith.constant 1 : i32
      %get3A_75 = arith.index_cast %get3A_74 : i32 to index
      %get3A_76 = arith.index_cast %add3A_73 : i32 to index
      %get3A_77 = tpu.vector_load %arg5[%get3A_75, %get3A_76] {strides = array<i32>} : memref<2x10112xi32, #tpu.memory_space<vmem>>, vector<16xi32>,
      %mul3A_78 = arith.constant 16 : i32
      %mul3A_79 = arith.muli %scan3A_69, %mul3A_78 : i32
      %add3A_80 = arith.addi %sub3A_22, %mul3A_79 : i32
      %get3A_81 = arith.constant 0 : i32
      %get3A_82 = arith.index_cast %get3A_81 : i32 to index
      %get3A_83 = arith.index_cast %add3A_80 : i32 to index
      %get3A_84 = tpu.vector_load %arg5[%get3A_82, %get3A_83] {strides = array<i32>} : memref<2x10112xi32, #tpu.memory_space<vmem>>, vector<16xi32>,
      %gather3A_85 = tpu.vector_load_idx %arg7[%get3A_84] : memref<10000xf32, #tpu.memory_space<vmem>>[vector<16xi32>], vector<16xf32>,
      tpu.vector_store_idx %arg6[%get3A_77], %gather3A_85 {add = true} : memref<10000xf32, #tpu.memory_space<vmem>>[vector<16xi32>], vector<16xf32>,
      %scan3A_86 = arith.constant 0 : i32
      %scan3A_87 = arith.constant 1 : i32
      %scan3A_88 = arith.addi %scan3A_69, %scan3A_87 : i32
      %mul3A_89 = arith.constant 16 : i32
      %mul3A_90 = arith.muli %scan3A_88, %mul3A_89 : i32
      %add3A_91 = arith.addi %sub3A_22, %mul3A_90 : i32
      %get3A_92 = arith.constant 1 : i32
      %get3A_93 = arith.index_cast %get3A_92 : i32 to index
      %get3A_94 = arith.index_cast %add3A_91 : i32 to index
      %get3A_95 = tpu.vector_load %arg5[%get3A_93, %get3A_94] {strides = array<i32>} : memref<2x10112xi32, #tpu.memory_space<vmem>>, vector<16xi32>,
      %mul3A_96 = arith.constant 16 : i32
      %mul3A_97 = arith.muli %scan3A_88, %mul3A_96 : i32
      %add3A_98 = arith.addi %sub3A_22, %mul3A_97 : i32
      %get3A_99 = arith.constant 0 : i32
      %get3A_100 = arith.index_cast %get3A_99 : i32 to index
      %get3A_101 = arith.index_cast %add3A_98 : i32 to index
      %get3A_102 = tpu.vector_load %arg5[%get3A_100, %get3A_101] {strides = array<i32>} : memref<2x10112xi32, #tpu.memory_space<vmem>>, vector<16xi32>,
      %gather3A_103 = tpu.vector_load_idx %arg7[%get3A_102] : memref<10000xf32, #tpu.memory_space<vmem>>[vector<16xi32>], vector<16xf32>,
      tpu.vector_store_idx %arg6[%get3A_95], %gather3A_103 {add = true} : memref<10000xf32, #tpu.memory_space<vmem>>[vector<16xi32>], vector<16xf32>,
      %scan3A_104 = arith.constant 0 : i32
      %scan3A_105 = arith.constant 2 : i32
      %scan3A_106 = arith.addi %scan3A_69, %scan3A_105 : i32
      %mul3A_107 = arith.constant 16 : i32
      %mul3A_108 = arith.muli %scan3A_106, %mul3A_107 : i32
      %add3A_109 = arith.addi %sub3A_22, %mul3A_108 : i32
      %get3A_110 = arith.constant 1 : i32
      %get3A_111 = arith.index_cast %get3A_110 : i32 to index
      %get3A_112 = arith.index_cast %add3A_109 : i32 to index
      %get3A_113 = tpu.vector_load %arg5[%get3A_111, %get3A_112] {strides = array<i32>} : memref<2x10112xi32, #tpu.memory_space<vmem>>, vector<16xi32>,
      %mul3A_114 = arith.constant 16 : i32
      %mul3A_115 = arith.muli %scan3A_106, %mul3A_114 : i32
      %add3A_116 = arith.addi %sub3A_22, %mul3A_115 : i32
      %get3A_117 = arith.constant 0 : i32
      %get3A_118 = arith.index_cast %get3A_117 : i32 to index
      %get3A_119 = arith.index_cast %add3A_116 : i32 to index
      %get3A_120 = tpu.vector_load %arg5[%get3A_118, %get3A_119] {strides = array<i32>} : memref<2x10112xi32, #tpu.memory_space<vmem>>, vector<16xi32>,
      %gather3A_121 = tpu.vector_load_idx %arg7[%get3A_120] : memref<10000xf32, #tpu.memory_space<vmem>>[vector<16xi32>], vector<16xf32>,
      tpu.vector_store_idx %arg6[%get3A_113], %gather3A_121 {add = true} : memref<10000xf32, #tpu.memory_space<vmem>>[vector<16xi32>], vector<16xf32>,
      %scan3A_122 = arith.constant 0 : i32
      %scan3A_123 = arith.constant 3 : i32
      %scan3A_124 = arith.addi %scan3A_69, %scan3A_123 : i32
      %mul3A_125 = arith.constant 16 : i32
      %mul3A_126 = arith.muli %scan3A_124, %mul3A_125 : i32
      %add3A_127 = arith.addi %sub3A_22, %mul3A_126 : i32
      %get3A_128 = arith.constant 1 : i32
      %get3A_129 = arith.index_cast %get3A_128 : i32 to index
      %get3A_130 = arith.index_cast %add3A_127 : i32 to index
      %get3A_131 = tpu.vector_load %arg5[%get3A_129, %get3A_130] {strides = array<i32>} : memref<2x10112xi32, #tpu.memory_space<vmem>>, vector<16xi32>,
      %mul3A_132 = arith.constant 16 : i32
      %mul3A_133 = arith.muli %scan3A_124, %mul3A_132 : i32
      %add3A_134 = arith.addi %sub3A_22, %mul3A_133 : i32
      %get3A_135 = arith.constant 0 : i32
      %get3A_136 = arith.index_cast %get3A_135 : i32 to index
      %get3A_137 = arith.index_cast %add3A_134 : i32 to index
      %get3A_138 = tpu.vector_load %arg5[%get3A_136, %get3A_137] {strides = array<i32>} : memref<2x10112xi32, #tpu.memory_space<vmem>>, vector<16xi32>,
      %gather3A_139 = tpu.vector_load_idx %arg7[%get3A_138] : memref<10000xf32, #tpu.memory_space<vmem>>[vector<16xi32>], vector<16xf32>,
      tpu.vector_store_idx %arg6[%get3A_131], %gather3A_139 {add = true} : memref<10000xf32, #tpu.memory_space<vmem>>[vector<16xi32>], vector<16xf32>,
      %scan3A_140 = arith.constant 0 : i32
      %scan3A_141 = arith.constant 4 : i32
      %scan3A_142 = arith.addi %scan3A_69, %scan3A_141 : i32
      %mul3A_143 = arith.constant 16 : i32
      %mul3A_144 = arith.muli %scan3A_142, %mul3A_143 : i32
      %add3A_145 = arith.addi %sub3A_22, %mul3A_144 : i32
      %get3A_146 = arith.constant 1 : i32
      %get3A_147 = arith.index_cast %get3A_146 : i32 to index
      %get3A_148 = arith.index_cast %add3A_145 : i32 to index
      %get3A_149 = tpu.vector_load %arg5[%get3A_147, %get3A_148] {strides = array<i32>} : memref<2x10112xi32, #tpu.memory_space<vmem>>, vector<16xi32>,
      %mul3A_150 = arith.constant 16 : i32
      %mul3A_151 = arith.muli %scan3A_142, %mul3A_150 : i32
      %add3A_152 = arith.addi %sub3A_22, %mul3A_151 : i32
      %get3A_153 = arith.constant 0 : i32
      %get3A_154 = arith.index_cast %get3A_153 : i32 to index
      %get3A_155 = arith.index_cast %add3A_152 : i32 to index
      %get3A_156 = tpu.vector_load %arg5[%get3A_154, %get3A_155] {strides = array<i32>} : memref<2x10112xi32, #tpu.memory_space<vmem>>, vector<16xi32>,
      %gather3A_157 = tpu.vector_load_idx %arg7[%get3A_156] : memref<10000xf32, #tpu.memory_space<vmem>>[vector<16xi32>], vector<16xf32>,
      tpu.vector_store_idx %arg6[%get3A_149], %gather3A_157 {add = true} : memref<10000xf32, #tpu.memory_space<vmem>>[vector<16xi32>], vector<16xf32>,
      %scan3A_158 = arith.constant 0 : i32
      %scan3A_159 = arith.constant 5 : i32
      %scan3A_160 = arith.addi %scan3A_69, %scan3A_159 : i32
      %mul3A_161 = arith.constant 16 : i32
      %mul3A_162 = arith.muli %scan3A_160, %mul3A_161 : i32
      %add3A_163 = arith.addi %sub3A_22, %mul3A_162 : i32
      %get3A_164 = arith.constant 1 : i32
      %get3A_165 = arith.index_cast %get3A_164 : i32 to index
      %get3A_166 = arith.index_cast %add3A_163 : i32 to index
      %get3A_167 = tpu.vector_load %arg5[%get3A_165, %get3A_166] {strides = array<i32>} : memref<2x10112xi32, #tpu.memory_space<vmem>>, vector<16xi32>,
      %mul3A_168 = arith.constant 16 : i32
      %mul3A_169 = arith.muli %scan3A_160, %mul3A_168 : i32
      %add3A_170 = arith.addi %sub3A_22, %mul3A_169 : i32
      %get3A_171 = arith.constant 0 : i32
      %get3A_172 = arith.index_cast %get3A_171 : i32 to index
      %get3A_173 = arith.index_cast %add3A_170 : i32 to index
      %get3A_174 = tpu.vector_load %arg5[%get3A_172, %get3A_173] {strides = array<i32>} : memref<2x10112xi32, #tpu.memory_space<vmem>>, vector<16xi32>,
      %gather3A_175 = tpu.vector_load_idx %arg7[%get3A_174] : memref<10000xf32, #tpu.memory_space<vmem>>[vector<16xi32>], vector<16xf32>,
      tpu.vector_store_idx %arg6[%get3A_167], %gather3A_175 {add = true} : memref<10000xf32, #tpu.memory_space<vmem>>[vector<16xi32>], vector<16xf32>,
      %scan3A_176 = arith.constant 0 : i32
      %scan3A_177 = arith.constant 6 : i32
      %scan3A_178 = arith.addi %scan3A_69, %scan3A_177 : i32
      %mul3A_179 = arith.constant 16 : i32
      %mul3A_180 = arith.muli %scan3A_178, %mul3A_179 : i32
      %add3A_181 = arith.addi %sub3A_22, %mul3A_180 : i32
      %get3A_182 = arith.constant 1 : i32
      %get3A_183 = arith.index_cast %get3A_182 : i32 to index
      %get3A_184 = arith.index_cast %add3A_181 : i32 to index
      %get3A_185 = tpu.vector_load %arg5[%get3A_183, %get3A_184] {strides = array<i32>} : memref<2x10112xi32, #tpu.memory_space<vmem>>, vector<16xi32>,
      %mul3A_186 = arith.constant 16 : i32
      %mul3A_187 = arith.muli %scan3A_178, %mul3A_186 : i32
      %add3A_188 = arith.addi %sub3A_22, %mul3A_187 : i32
      %get3A_189 = arith.constant 0 : i32
      %get3A_190 = arith.index_cast %get3A_189 : i32 to index
      %get3A_191 = arith.index_cast %add3A_188 : i32 to index
      %get3A_192 = tpu.vector_load %arg5[%get3A_190, %get3A_191] {strides = array<i32>} : memref<2x10112xi32, #tpu.memory_space<vmem>>, vector<16xi32>,
      %gather3A_193 = tpu.vector_load_idx %arg7[%get3A_192] : memref<10000xf32, #tpu.memory_space<vmem>>[vector<16xi32>], vector<16xf32>,
      tpu.vector_store_idx %arg6[%get3A_185], %gather3A_193 {add = true} : memref<10000xf32, #tpu.memory_space<vmem>>[vector<16xi32>], vector<16xf32>,
      %scan3A_194 = arith.constant 0 : i32
      %scan3A_195 = arith.constant 7 : i32
      %scan3A_196 = arith.addi %scan3A_69, %scan3A_195 : i32
      %mul3A_197 = arith.constant 16 : i32
      %mul3A_198 = arith.muli %scan3A_196, %mul3A_197 : i32
      %add3A_199 = arith.addi %sub3A_22, %mul3A_198 : i32
      %get3A_200 = arith.constant 1 : i32
      %get3A_201 = arith.index_cast %get3A_200 : i32 to index
      %get3A_202 = arith.index_cast %add3A_199 : i32 to index
      %get3A_203 = tpu.vector_load %arg5[%get3A_201, %get3A_202] {strides = array<i32>} : memref<2x10112xi32, #tpu.memory_space<vmem>>, vector<16xi32>,
      %mul3A_204 = arith.constant 16 : i32
      %mul3A_205 = arith.muli %scan3A_196, %mul3A_204 : i32
      %add3A_206 = arith.addi %sub3A_22, %mul3A_205 : i32
      %get3A_207 = arith.constant 0 : i32
      %get3A_208 = arith.index_cast %get3A_207 : i32 to index
      %get3A_209 = arith.index_cast %add3A_206 : i32 to index
      %get3A_210 = tpu.vector_load %arg5[%get3A_208, %get3A_209] {strides = array<i32>} : memref<2x10112xi32, #tpu.memory_space<vmem>>, vector<16xi32>,
      %gather3A_211 = tpu.vector_load_idx %arg7[%get3A_210] : memref<10000xf32, #tpu.memory_space<vmem>>[vector<16xi32>], vector<16xf32>,
      tpu.vector_store_idx %arg6[%get3A_203], %gather3A_211 {add = true} : memref<10000xf32, #tpu.memory_space<vmem>>[vector<16xi32>], vector<16xf32>,
      %scan3A_212 = arith.constant 0 : i32
      %scan3A_213 = arith.constant 8 : i32
      %scan3A_214 = arith.addi %scan3A_69, %scan3A_213 : i32
      %mul3A_215 = arith.constant 16 : i32
      %mul3A_216 = arith.muli %scan3A_214, %mul3A_215 : i32
      %add3A_217 = arith.addi %sub3A_22, %mul3A_216 : i32
      %get3A_218 = arith.constant 1 : i32
      %get3A_219 = arith.index_cast %get3A_218 : i32 to index
      %get3A_220 = arith.index_cast %add3A_217 : i32 to index
      %get3A_221 = tpu.vector_load %arg5[%get3A_219, %get3A_220] {strides = array<i32>} : memref<2x10112xi32, #tpu.memory_space<vmem>>, vector<16xi32>,
      %mul3A_222 = arith.constant 16 : i32
      %mul3A_223 = arith.muli %scan3A_214, %mul3A_222 : i32
      %add3A_224 = arith.addi %sub3A_22, %mul3A_223 : i32
      %get3A_225 = arith.constant 0 : i32
      %get3A_226 = arith.index_cast %get3A_225 : i32 to index
      %get3A_227 = arith.index_cast %add3A_224 : i32 to index
      %get3A_228 = tpu.vector_load %arg5[%get3A_226, %get3A_227] {strides = array<i32>} : memref<2x10112xi32, #tpu.memory_space<vmem>>, vector<16xi32>,
      %gather3A_229 = tpu.vector_load_idx %arg7[%get3A_228] : memref<10000xf32, #tpu.memory_space<vmem>>[vector<16xi32>], vector<16xf32>,
      tpu.vector_store_idx %arg6[%get3A_221], %gather3A_229 {add = true} : memref<10000xf32, #tpu.memory_space<vmem>>[vector<16xi32>], vector<16xf32>,
      %scan3A_230 = arith.constant 0 : i32
      %scan3A_231 = arith.constant 9 : i32
      %scan3A_232 = arith.addi %scan3A_69, %scan3A_231 : i32
      %mul3A_233 = arith.constant 16 : i32
      %mul3A_234 = arith.muli %scan3A_232, %mul3A_233 : i32
      %add3A_235 = arith.addi %sub3A_22, %mul3A_234 : i32
      %get3A_236 = arith.constant 1 : i32
      %get3A_237 = arith.index_cast %get3A_236 : i32 to index
      %get3A_238 = arith.index_cast %add3A_235 : i32 to index
      %get3A_239 = tpu.vector_load %arg5[%get3A_237, %get3A_238] {strides = array<i32>} : memref<2x10112xi32, #tpu.memory_space<vmem>>, vector<16xi32>,
      %mul3A_240 = arith.constant 16 : i32
      %mul3A_241 = arith.muli %scan3A_232, %mul3A_240 : i32
      %add3A_242 = arith.addi %sub3A_22, %mul3A_241 : i32
      %get3A_243 = arith.constant 0 : i32
      %get3A_244 = arith.index_cast %get3A_243 : i32 to index
      %get3A_245 = arith.index_cast %add3A_242 : i32 to index
      %get3A_246 = tpu.vector_load %arg5[%get3A_244, %get3A_245] {strides = array<i32>} : memref<2x10112xi32, #tpu.memory_space<vmem>>, vector<16xi32>,
      %gather3A_247 = tpu.vector_load_idx %arg7[%get3A_246] : memref<10000xf32, #tpu.memory_space<vmem>>[vector<16xi32>], vector<16xf32>,
      tpu.vector_store_idx %arg6[%get3A_239], %gather3A_247 {add = true} : memref<10000xf32, #tpu.memory_space<vmem>>[vector<16xi32>], vector<16xf32>,
      %scan3A_248 = arith.constant 0 : i32
      %scan3A_249 = arith.constant 10 : i32
      %scan3A_250 = arith.addi %scan3A_69, %scan3A_249 : i32
      %mul3A_251 = arith.constant 16 : i32
      %mul3A_252 = arith.muli %scan3A_250, %mul3A_251 : i32
      %add3A_253 = arith.addi %sub3A_22, %mul3A_252 : i32
      %get3A_254 = arith.constant 1 : i32
      %get3A_255 = arith.index_cast %get3A_254 : i32 to index
      %get3A_256 = arith.index_cast %add3A_253 : i32 to index
      %get3A_257 = tpu.vector_load %arg5[%get3A_255, %get3A_256] {strides = array<i32>} : memref<2x10112xi32, #tpu.memory_space<vmem>>, vector<16xi32>,
      %mul3A_258 = arith.constant 16 : i32
      %mul3A_259 = arith.muli %scan3A_250, %mul3A_258 : i32
      %add3A_260 = arith.addi %sub3A_22, %mul3A_259 : i32
      %get3A_261 = arith.constant 0 : i32
      %get3A_262 = arith.index_cast %get3A_261 : i32 to index
      %get3A_263 = arith.index_cast %add3A_260 : i32 to index
      %get3A_264 = tpu.vector_load %arg5[%get3A_262, %get3A_263] {strides = array<i32>} : memref<2x10112xi32, #tpu.memory_space<vmem>>, vector<16xi32>,
      %gather3A_265 = tpu.vector_load_idx %arg7[%get3A_264] : memref<10000xf32, #tpu.memory_space<vmem>>[vector<16xi32>], vector<16xf32>,
      tpu.vector_store_idx %arg6[%get3A_257], %gather3A_265 {add = true} : memref<10000xf32, #tpu.memory_space<vmem>>[vector<16xi32>], vector<16xf32>,
      %scan3A_266 = arith.constant 0 : i32
      %scan3A_267 = arith.constant 11 : i32
      %scan3A_268 = arith.addi %scan3A_69, %scan3A_267 : i32
      %mul3A_269 = arith.constant 16 : i32
      %mul3A_270 = arith.muli %scan3A_268, %mul3A_269 : i32
      %add3A_271 = arith.addi %sub3A_22, %mul3A_270 : i32
      %get3A_272 = arith.constant 1 : i32
      %get3A_273 = arith.index_cast %get3A_272 : i32 to index
      %get3A_274 = arith.index_cast %add3A_271 : i32 to index
      %get3A_275 = tpu.vector_load %arg5[%get3A_273, %get3A_274] {strides = array<i32>} : memref<2x10112xi32, #tpu.memory_space<vmem>>, vector<16xi32>,
      %mul3A_276 = arith.constant 16 : i32
      %mul3A_277 = arith.muli %scan3A_268, %mul3A_276 : i32
      %add3A_278 = arith.addi %sub3A_22, %mul3A_277 : i32
      %get3A_279 = arith.constant 0 : i32
      %get3A_280 = arith.index_cast %get3A_279 : i32 to index
      %get3A_281 = arith.index_cast %add3A_278 : i32 to index
      %get3A_282 = tpu.vector_load %arg5[%get3A_280, %get3A_281] {strides = array<i32>} : memref<2x10112xi32, #tpu.memory_space<vmem>>, vector<16xi32>,
      %gather3A_283 = tpu.vector_load_idx %arg7[%get3A_282] : memref<10000xf32, #tpu.memory_space<vmem>>[vector<16xi32>], vector<16xf32>,
      tpu.vector_store_idx %arg6[%get3A_275], %gather3A_283 {add = true} : memref<10000xf32, #tpu.memory_space<vmem>>[vector<16xi32>], vector<16xf32>,
      %scan3A_284 = arith.constant 0 : i32
      %scan3A_285 = arith.constant 12 : i32
      %scan3A_286 = arith.addi %scan3A_69, %scan3A_285 : i32
      %mul3A_287 = arith.constant 16 : i32
      %mul3A_288 = arith.muli %scan3A_286, %mul3A_287 : i32
      %add3A_289 = arith.addi %sub3A_22, %mul3A_288 : i32
      %get3A_290 = arith.constant 1 : i32
      %get3A_291 = arith.index_cast %get3A_290 : i32 to index
      %get3A_292 = arith.index_cast %add3A_289 : i32 to index
      %get3A_293 = tpu.vector_load %arg5[%get3A_291, %get3A_292] {strides = array<i32>} : memref<2x10112xi32, #tpu.memory_space<vmem>>, vector<16xi32>,
      %mul3A_294 = arith.constant 16 : i32
      %mul3A_295 = arith.muli %scan3A_286, %mul3A_294 : i32
      %add3A_296 = arith.addi %sub3A_22, %mul3A_295 : i32
      %get3A_297 = arith.constant 0 : i32
      %get3A_298 = arith.index_cast %get3A_297 : i32 to index
      %get3A_299 = arith.index_cast %add3A_296 : i32 to index
      %get3A_300 = tpu.vector_load %arg5[%get3A_298, %get3A_299] {strides = array<i32>} : memref<2x10112xi32, #tpu.memory_space<vmem>>, vector<16xi32>,
      %gather3A_301 = tpu.vector_load_idx %arg7[%get3A_300] : memref<10000xf32, #tpu.memory_space<vmem>>[vector<16xi32>], vector<16xf32>,
      tpu.vector_store_idx %arg6[%get3A_293], %gather3A_301 {add = true} : memref<10000xf32, #tpu.memory_space<vmem>>[vector<16xi32>], vector<16xf32>,
      %scan3A_302 = arith.constant 0 : i32
      %scan3A_303 = arith.constant 13 : i32
      %scan3A_304 = arith.addi %scan3A_69, %scan3A_303 : i32
      %mul3A_305 = arith.constant 16 : i32
      %mul3A_306 = arith.muli %scan3A_304, %mul3A_305 : i32
      %add3A_307 = arith.addi %sub3A_22, %mul3A_306 : i32
      %get3A_308 = arith.constant 1 : i32
      %get3A_309 = arith.index_cast %get3A_308 : i32 to index
      %get3A_310 = arith.index_cast %add3A_307 : i32 to index
      %get3A_311 = tpu.vector_load %arg5[%get3A_309, %get3A_310] {strides = array<i32>} : memref<2x10112xi32, #tpu.memory_space<vmem>>, vector<16xi32>,
      %mul3A_312 = arith.constant 16 : i32
      %mul3A_313 = arith.muli %scan3A_304, %mul3A_312 : i32
      %add3A_314 = arith.addi %sub3A_22, %mul3A_313 : i32
      %get3A_315 = arith.constant 0 : i32
      %get3A_316 = arith.index_cast %get3A_315 : i32 to index
      %get3A_317 = arith.index_cast %add3A_314 : i32 to index
      %get3A_318 = tpu.vector_load %arg5[%get3A_316, %get3A_317] {strides = array<i32>} : memref<2x10112xi32, #tpu.memory_space<vmem>>, vector<16xi32>,
      %gather3A_319 = tpu.vector_load_idx %arg7[%get3A_318] : memref<10000xf32, #tpu.memory_space<vmem>>[vector<16xi32>], vector<16xf32>,
      tpu.vector_store_idx %arg6[%get3A_311], %gather3A_319 {add = true} : memref<10000xf32, #tpu.memory_space<vmem>>[vector<16xi32>], vector<16xf32>,
      %scan3A_320 = arith.constant 0 : i32
      %scan3A_321 = arith.constant 14 : i32
      %scan3A_322 = arith.addi %scan3A_69, %scan3A_321 : i32
      %mul3A_323 = arith.constant 16 : i32
      %mul3A_324 = arith.muli %scan3A_322, %mul3A_323 : i32
      %add3A_325 = arith.addi %sub3A_22, %mul3A_324 : i32
      %get3A_326 = arith.constant 1 : i32
      %get3A_327 = arith.index_cast %get3A_326 : i32 to index
      %get3A_328 = arith.index_cast %add3A_325 : i32 to index
      %get3A_329 = tpu.vector_load %arg5[%get3A_327, %get3A_328] {strides = array<i32>} : memref<2x10112xi32, #tpu.memory_space<vmem>>, vector<16xi32>,
      %mul3A_330 = arith.constant 16 : i32
      %mul3A_331 = arith.muli %scan3A_322, %mul3A_330 : i32
      %add3A_332 = arith.addi %sub3A_22, %mul3A_331 : i32
      %get3A_333 = arith.constant 0 : i32
      %get3A_334 = arith.index_cast %get3A_333 : i32 to index
      %get3A_335 = arith.index_cast %add3A_332 : i32 to index
      %get3A_336 = tpu.vector_load %arg5[%get3A_334, %get3A_335] {strides = array<i32>} : memref<2x10112xi32, #tpu.memory_space<vmem>>, vector<16xi32>,
      %gather3A_337 = tpu.vector_load_idx %arg7[%get3A_336] : memref<10000xf32, #tpu.memory_space<vmem>>[vector<16xi32>], vector<16xf32>,
      tpu.vector_store_idx %arg6[%get3A_329], %gather3A_337 {add = true} : memref<10000xf32, #tpu.memory_space<vmem>>[vector<16xi32>], vector<16xf32>,
      %scan3A_338 = arith.constant 0 : i32
      %scan3A_339 = arith.constant 15 : i32
      %scan3A_340 = arith.addi %scan3A_69, %scan3A_339 : i32
      %mul3A_341 = arith.constant 16 : i32
      %mul3A_342 = arith.muli %scan3A_340, %mul3A_341 : i32
      %add3A_343 = arith.addi %sub3A_22, %mul3A_342 : i32
      %get3A_344 = arith.constant 1 : i32
      %get3A_345 = arith.index_cast %get3A_344 : i32 to index
      %get3A_346 = arith.index_cast %add3A_343 : i32 to index
      %get3A_347 = tpu.vector_load %arg5[%get3A_345, %get3A_346] {strides = array<i32>} : memref<2x10112xi32, #tpu.memory_space<vmem>>, vector<16xi32>,
      %mul3A_348 = arith.constant 16 : i32
      %mul3A_349 = arith.muli %scan3A_340, %mul3A_348 : i32
      %add3A_350 = arith.addi %sub3A_22, %mul3A_349 : i32
      %get3A_351 = arith.constant 0 : i32
      %get3A_352 = arith.index_cast %get3A_351 : i32 to index
      %get3A_353 = arith.index_cast %add3A_350 : i32 to index
      %get3A_354 = tpu.vector_load %arg5[%get3A_352, %get3A_353] {strides = array<i32>} : memref<2x10112xi32, #tpu.memory_space<vmem>>, vector<16xi32>,
      %gather3A_355 = tpu.vector_load_idx %arg7[%get3A_354] : memref<10000xf32, #tpu.memory_space<vmem>>[vector<16xi32>], vector<16xf32>,
      tpu.vector_store_idx %arg6[%get3A_347], %gather3A_355 {add = true} : memref<10000xf32, #tpu.memory_space<vmem>>[vector<16xi32>], vector<16xf32>,
      %scan3A_356 = arith.constant 0 : i32
      scf.yield %scan3A_356 : i32
    }
    %scan3A_50 = arith.constant 624 : i32
    %scan3A_51 = arith.addi %scan3A_45, %scan3A_50 : i32
    %mul3A_52 = arith.constant 16 : i32
    %mul3A_53 = arith.muli %scan3A_51, %mul3A_52 : i32
    %add3A_54 = arith.addi %sub3A_22, %mul3A_53 : i32
    %get3A = arith.constant 1 : i32
    %get3A_55 = arith.index_cast %get3A : i32 to index
    %get3A_56 = arith.index_cast %add3A_54 : i32 to index
    %get3A_57 = tpu.vector_load %arg5[%get3A_55, %get3A_56] {strides = array<i32>} : memref<2x10112xi32, #tpu.memory_space<vmem>>, vector<16xi32>,
    %mul3A_58 = arith.constant 16 : i32
    %mul3A_59 = arith.muli %scan3A_51, %mul3A_58 : i32
    %add3A_60 = arith.addi %sub3A_22, %mul3A_59 : i32
    %get3A_61 = arith.constant 0 : i32
    %get3A_62 = arith.index_cast %get3A_61 : i32 to index
    %get3A_63 = arith.index_cast %add3A_60 : i32 to index
    %get3A_64 = tpu.vector_load %arg5[%get3A_62, %get3A_63] {strides = array<i32>} : memref<2x10112xi32, #tpu.memory_space<vmem>>, vector<16xi32>,
    %gather3A = tpu.vector_load_idx %arg7[%get3A_64] : memref<10000xf32, #tpu.memory_space<vmem>>[vector<16xi32>], vector<16xf32>,
    tpu.vector_store_idx %arg6[%get3A_57], %gather3A {add = true} : memref<10000xf32, #tpu.memory_space<vmem>>[vector<16xi32>], vector<16xf32>,
    %scan3A_65 = arith.constant 0 : i32
    %scan3A_66 = arith.constant 625 : i32
    %mul3A_67 = arith.constant 10112 : i32
    %mul3A_68 = arith.muli %add3A, %mul3A_67 : i32
    "tpu.region"() ({
      %run_scoped3A = tpu.sem_alloc : memref<!tpu.dma_semaphore, #tpu.memory_space<semaphore_mem>>
      %dma_start3A_69 = tpu.memref_slice %arg4[%mul3A_68] : memref<323584xf32, #tpu.memory_space<hbm>> -> memref<10000xf32, #tpu.memory_space<hbm>>
      %dma_start3A_70 = tpu.memref_slice %arg4[%mul3A_68] : memref<323584xf32, #tpu.memory_space<hbm>> -> memref<10000xf32, #tpu.memory_space<hbm>>
      tpu.enqueue_dma source(%arg6 : memref<10000xf32, #tpu.memory_space<vmem>>) target(%dma_start3A_70 : memref<10000xf32, #tpu.memory_space<hbm>>) target_semaphore(%run_scoped3A : memref<!tpu.dma_semaphore, #tpu.memory_space<semaphore_mem>>)
      %dma_wait3A_71 = tpu.memref_slice %arg4[%mul3A_68] : memref<323584xf32, #tpu.memory_space<hbm>> -> memref<10000xf32, #tpu.memory_space<hbm>>
      %dma_wait3A_72 = tpu.memref_slice %arg4[%mul3A_68] : memref<323584xf32, #tpu.memory_space<hbm>> -> memref<10000xf32, #tpu.memory_space<hbm>>
      tpu.wait_dma2 semaphore(%run_scoped3A : memref<!tpu.dma_semaphore, #tpu.memory_space<semaphore_mem>>) src(%arg6 : memref<10000xf32, #tpu.memory_space<vmem>>) dst(%dma_wait3A_72 : memref<10000xf32, #tpu.memory_space<hbm>>)
      tpu.yield
    }) : () -> ()
    return
  }
}

#map = affine_map<(d0, d1) -> (0, 0)>
#map1 = affine_map<(d0, d1) -> (0)>
module attributes {stable_mosaic.version = 14 : i64} {
  func.func @seg_kernel(%arg0: i32, %arg1: i32, %arg2: memref<2x320000xi32, #tpu.memory_space<hbm>>, %arg3: memref<323584xf32, #tpu.memory_space<hbm>>, %arg4: memref<2x10112xi32, #tpu.memory_space<vmem>>, %arg5: memref<10000xf32, #tpu.memory_space<vmem>>, %arg6: memref<!tpu.dma_semaphore, #tpu.memory_space<semaphore_mem>>) attributes {dimension_semantics = [#tpu.dimension_semantics<core_parallel>, #tpu.dimension_semantics<subcore_parallel>], iteration_bounds = array<i64: 2, 16>, scalar_prefetch = 0 : i64, scratch_operands = 3 : i64, tpu.core_type = #tpu.core_type<sc_vector_subcore>, window_params = [{transform_indices = #map}, {transform_indices = #map1}]} {
    %mul3A = arith.constant 2 : i32
    %mul3A_0 = arith.muli %arg1, %mul3A : i32
    %add3A = arith.addi %mul3A_0, %arg0 : i32
    %mul3A_1 = arith.constant 10000 : i32
    %mul3A_2 = arith.muli %add3A, %mul3A_1 : i32
    %jit3A = arith.constant 128 : i32
    %div3A = arith.divsi %mul3A_2, %jit3A : i32
    %sign3A = arith.constant 0 : i32
    %sign3A_3 = arith.cmpi sgt, %mul3A_2, %sign3A : i32
    %sign3A_4 = arith.extui %sign3A_3 : i1 to i32
    %sign3A_5 = arith.constant 0 : i32
    %sign3A_6 = arith.cmpi slt, %mul3A_2, %sign3A_5 : i32
    %sign3A_7 = arith.extui %sign3A_6 : i1 to i32
    %sign3A_8 = arith.subi %sign3A_4, %sign3A_7 : i32
    %sign3A_9 = arith.constant 0 : i32
    %sign3A_10 = arith.cmpi sgt, %jit3A, %sign3A_9 : i32
    %sign3A_11 = arith.extui %sign3A_10 : i1 to i32
    %sign3A_12 = arith.constant 0 : i32
    %sign3A_13 = arith.cmpi slt, %jit3A, %sign3A_12 : i32
    %sign3A_14 = arith.extui %sign3A_13 : i1 to i32
    %sign3A_15 = arith.subi %sign3A_11, %sign3A_14 : i32
    %ne3A = arith.cmpi ne, %sign3A_8, %sign3A_15 : i32
    %rem3A = arith.remsi %mul3A_2, %jit3A : i32
    %ne3A_16 = arith.constant 0 : i32
    %ne3A_17 = arith.cmpi ne, %rem3A, %ne3A_16 : i32
    %and3A = arith.andi %ne3A, %ne3A_17 : i1
    %sub3A = arith.constant 1 : i32
    %sub3A_18 = arith.subi %div3A, %sub3A : i32
    %select_n3A = arith.select %and3A, %sub3A_18, %div3A : i32
    %mul3A_19 = arith.constant 128 : i32
    %mul3A_20 = arith.muli %select_n3A, %mul3A_19 : i32
    %min3A = arith.constant 309888 : i32
    %min3A_21 = arith.minsi %mul3A_20, %min3A : i32
    %sub3A_22 = arith.subi %mul3A_2, %min3A_21 : i32
    %dma_start3A = arith.constant 0 : i32
    %dma_start3A_23 = tpu.memref_slice %arg2[%dma_start3A, %min3A_21] : memref<2x320000xi32, #tpu.memory_space<hbm>> -> memref<2x10112xi32, #tpu.memory_space<hbm>>
    %dma_start3A_24 = arith.constant 0 : i32
    %dma_start3A_25 = tpu.memref_slice %arg2[%dma_start3A_24, %min3A_21] : memref<2x320000xi32, #tpu.memory_space<hbm>> -> memref<2x10112xi32, #tpu.memory_space<hbm>>
    tpu.enqueue_dma source(%dma_start3A_25 : memref<2x10112xi32, #tpu.memory_space<hbm>>) target(%arg4 : memref<2x10112xi32, #tpu.memory_space<vmem>>) target_semaphore(%arg6 : memref<!tpu.dma_semaphore, #tpu.memory_space<semaphore_mem>>)
    %scan3A = arith.constant 0 : i32
    %scan3A_26 = arith.constant 0 : i32
    %scan3A_27 = arith.constant 624 : i32
    %scan3A_28 = arith.addi %scan3A_26, %scan3A_27 : i32
    %scan3A_29 = arith.constant 8 : i32
    %scan3A_30 = scf.for %scan3A_62 = %scan3A_26 to %scan3A_28 step %scan3A_29 iter_args(%scan3A_63 = %scan3A) -> (i32)  : i32 {
      %broadcast_in_dim3A_64 = arith.constant 0.000000e+00 : f32
      %broadcast_in_dim3A_65 = vector.broadcast %broadcast_in_dim3A_64 : f32 to vector<16xf32>
      %mul3A_66 = arith.constant 16 : i32
      %mul3A_67 = arith.muli %scan3A_62, %mul3A_66 : i32
      %swap3A_68 = arith.index_cast %mul3A_67 : i32 to index
      %swap3A_69 = tpu.vector_load %arg5[%swap3A_68] {strides = array<i32>} : memref<10000xf32, #tpu.memory_space<vmem>>, vector<16xf32>,
      tpu.vector_store %arg5[%swap3A_68], %broadcast_in_dim3A_65 {strides = array<i32>} : memref<10000xf32, #tpu.memory_space<vmem>>, vector<16xf32>,
      %scan3A_70 = arith.constant 0 : i32
      %scan3A_71 = arith.constant 1 : i32
      %scan3A_72 = arith.addi %scan3A_62, %scan3A_71 : i32
      %broadcast_in_dim3A_73 = arith.constant 0.000000e+00 : f32
      %broadcast_in_dim3A_74 = vector.broadcast %broadcast_in_dim3A_73 : f32 to vector<16xf32>
      %mul3A_75 = arith.constant 16 : i32
      %mul3A_76 = arith.muli %scan3A_72, %mul3A_75 : i32
      %swap3A_77 = arith.index_cast %mul3A_76 : i32 to index
      %swap3A_78 = tpu.vector_load %arg5[%swap3A_77] {strides = array<i32>} : memref<10000xf32, #tpu.memory_space<vmem>>, vector<16xf32>,
      tpu.vector_store %arg5[%swap3A_77], %broadcast_in_dim3A_74 {strides = array<i32>} : memref<10000xf32, #tpu.memory_space<vmem>>, vector<16xf32>,
      %scan3A_79 = arith.constant 0 : i32
      %scan3A_80 = arith.constant 2 : i32
      %scan3A_81 = arith.addi %scan3A_62, %scan3A_80 : i32
      %broadcast_in_dim3A_82 = arith.constant 0.000000e+00 : f32
      %broadcast_in_dim3A_83 = vector.broadcast %broadcast_in_dim3A_82 : f32 to vector<16xf32>
      %mul3A_84 = arith.constant 16 : i32
      %mul3A_85 = arith.muli %scan3A_81, %mul3A_84 : i32
      %swap3A_86 = arith.index_cast %mul3A_85 : i32 to index
      %swap3A_87 = tpu.vector_load %arg5[%swap3A_86] {strides = array<i32>} : memref<10000xf32, #tpu.memory_space<vmem>>, vector<16xf32>,
      tpu.vector_store %arg5[%swap3A_86], %broadcast_in_dim3A_83 {strides = array<i32>} : memref<10000xf32, #tpu.memory_space<vmem>>, vector<16xf32>,
      %scan3A_88 = arith.constant 0 : i32
      %scan3A_89 = arith.constant 3 : i32
      %scan3A_90 = arith.addi %scan3A_62, %scan3A_89 : i32
      %broadcast_in_dim3A_91 = arith.constant 0.000000e+00 : f32
      %broadcast_in_dim3A_92 = vector.broadcast %broadcast_in_dim3A_91 : f32 to vector<16xf32>
      %mul3A_93 = arith.constant 16 : i32
      %mul3A_94 = arith.muli %scan3A_90, %mul3A_93 : i32
      %swap3A_95 = arith.index_cast %mul3A_94 : i32 to index
      %swap3A_96 = tpu.vector_load %arg5[%swap3A_95] {strides = array<i32>} : memref<10000xf32, #tpu.memory_space<vmem>>, vector<16xf32>,
      tpu.vector_store %arg5[%swap3A_95], %broadcast_in_dim3A_92 {strides = array<i32>} : memref<10000xf32, #tpu.memory_space<vmem>>, vector<16xf32>,
      %scan3A_97 = arith.constant 0 : i32
      %scan3A_98 = arith.constant 4 : i32
      %scan3A_99 = arith.addi %scan3A_62, %scan3A_98 : i32
      %broadcast_in_dim3A_100 = arith.constant 0.000000e+00 : f32
      %broadcast_in_dim3A_101 = vector.broadcast %broadcast_in_dim3A_100 : f32 to vector<16xf32>
      %mul3A_102 = arith.constant 16 : i32
      %mul3A_103 = arith.muli %scan3A_99, %mul3A_102 : i32
      %swap3A_104 = arith.index_cast %mul3A_103 : i32 to index
      %swap3A_105 = tpu.vector_load %arg5[%swap3A_104] {strides = array<i32>} : memref<10000xf32, #tpu.memory_space<vmem>>, vector<16xf32>,
      tpu.vector_store %arg5[%swap3A_104], %broadcast_in_dim3A_101 {strides = array<i32>} : memref<10000xf32, #tpu.memory_space<vmem>>, vector<16xf32>,
      %scan3A_106 = arith.constant 0 : i32
      %scan3A_107 = arith.constant 5 : i32
      %scan3A_108 = arith.addi %scan3A_62, %scan3A_107 : i32
      %broadcast_in_dim3A_109 = arith.constant 0.000000e+00 : f32
      %broadcast_in_dim3A_110 = vector.broadcast %broadcast_in_dim3A_109 : f32 to vector<16xf32>
      %mul3A_111 = arith.constant 16 : i32
      %mul3A_112 = arith.muli %scan3A_108, %mul3A_111 : i32
      %swap3A_113 = arith.index_cast %mul3A_112 : i32 to index
      %swap3A_114 = tpu.vector_load %arg5[%swap3A_113] {strides = array<i32>} : memref<10000xf32, #tpu.memory_space<vmem>>, vector<16xf32>,
      tpu.vector_store %arg5[%swap3A_113], %broadcast_in_dim3A_110 {strides = array<i32>} : memref<10000xf32, #tpu.memory_space<vmem>>, vector<16xf32>,
      %scan3A_115 = arith.constant 0 : i32
      %scan3A_116 = arith.constant 6 : i32
      %scan3A_117 = arith.addi %scan3A_62, %scan3A_116 : i32
      %broadcast_in_dim3A_118 = arith.constant 0.000000e+00 : f32
      %broadcast_in_dim3A_119 = vector.broadcast %broadcast_in_dim3A_118 : f32 to vector<16xf32>
      %mul3A_120 = arith.constant 16 : i32
      %mul3A_121 = arith.muli %scan3A_117, %mul3A_120 : i32
      %swap3A_122 = arith.index_cast %mul3A_121 : i32 to index
      %swap3A_123 = tpu.vector_load %arg5[%swap3A_122] {strides = array<i32>} : memref<10000xf32, #tpu.memory_space<vmem>>, vector<16xf32>,
      tpu.vector_store %arg5[%swap3A_122], %broadcast_in_dim3A_119 {strides = array<i32>} : memref<10000xf32, #tpu.memory_space<vmem>>, vector<16xf32>,
      %scan3A_124 = arith.constant 0 : i32
      %scan3A_125 = arith.constant 7 : i32
      %scan3A_126 = arith.addi %scan3A_62, %scan3A_125 : i32
      %broadcast_in_dim3A_127 = arith.constant 0.000000e+00 : f32
      %broadcast_in_dim3A_128 = vector.broadcast %broadcast_in_dim3A_127 : f32 to vector<16xf32>
      %mul3A_129 = arith.constant 16 : i32
      %mul3A_130 = arith.muli %scan3A_126, %mul3A_129 : i32
      %swap3A_131 = arith.index_cast %mul3A_130 : i32 to index
      %swap3A_132 = tpu.vector_load %arg5[%swap3A_131] {strides = array<i32>} : memref<10000xf32, #tpu.memory_space<vmem>>, vector<16xf32>,
      tpu.vector_store %arg5[%swap3A_131], %broadcast_in_dim3A_128 {strides = array<i32>} : memref<10000xf32, #tpu.memory_space<vmem>>, vector<16xf32>,
      %scan3A_133 = arith.constant 0 : i32
      scf.yield %scan3A_133 : i32
    }
    %scan3A_31 = arith.constant 624 : i32
    %scan3A_32 = arith.addi %scan3A_26, %scan3A_31 : i32
    %broadcast_in_dim3A = arith.constant 0.000000e+00 : f32
    %broadcast_in_dim3A_33 = vector.broadcast %broadcast_in_dim3A : f32 to vector<16xf32>
    %mul3A_34 = arith.constant 16 : i32
    %mul3A_35 = arith.muli %scan3A_32, %mul3A_34 : i32
    %swap3A = arith.index_cast %mul3A_35 : i32 to index
    %swap3A_36 = tpu.vector_load %arg5[%swap3A] {strides = array<i32>} : memref<10000xf32, #tpu.memory_space<vmem>>, vector<16xf32>,
    tpu.vector_store %arg5[%swap3A], %broadcast_in_dim3A_33 {strides = array<i32>} : memref<10000xf32, #tpu.memory_space<vmem>>, vector<16xf32>,
    %scan3A_37 = arith.constant 0 : i32
    %scan3A_38 = arith.constant 625 : i32
    %dma_wait3A = arith.constant 0 : i32
    %dma_wait3A_39 = tpu.memref_slice %arg2[%dma_wait3A, %min3A_21] : memref<2x320000xi32, #tpu.memory_space<hbm>> -> memref<2x10112xi32, #tpu.memory_space<hbm>>
    %dma_wait3A_40 = arith.constant 0 : i32
    %dma_wait3A_41 = tpu.memref_slice %arg2[%dma_wait3A_40, %min3A_21] : memref<2x320000xi32, #tpu.memory_space<hbm>> -> memref<2x10112xi32, #tpu.memory_space<hbm>>
    tpu.wait_dma2 semaphore(%arg6 : memref<!tpu.dma_semaphore, #tpu.memory_space<semaphore_mem>>) src(%dma_wait3A_41 : memref<2x10112xi32, #tpu.memory_space<hbm>>) dst(%arg4 : memref<2x10112xi32, #tpu.memory_space<vmem>>)
    %broadcast_in_dim3A_42 = arith.constant 1.000000e+00 : f32
    %broadcast_in_dim3A_43 = vector.broadcast %broadcast_in_dim3A_42 : f32 to vector<16xf32>
    %scan3A_44 = arith.constant 0 : i32
    %scan3A_45 = arith.constant 0 : i32
    %scan3A_46 = arith.constant 624 : i32
    %scan3A_47 = arith.addi %scan3A_45, %scan3A_46 : i32
    %scan3A_48 = arith.constant 16 : i32
    %scan3A_49 = scf.for %scan3A_62 = %scan3A_45 to %scan3A_47 step %scan3A_48 iter_args(%scan3A_63 = %scan3A_44) -> (i32)  : i32 {
      %mul3A_64 = arith.constant 16 : i32
      %mul3A_65 = arith.muli %scan3A_62, %mul3A_64 : i32
      %add3A_66 = arith.addi %sub3A_22, %mul3A_65 : i32
      %get3A_67 = arith.constant 1 : i32
      %get3A_68 = arith.index_cast %get3A_67 : i32 to index
      %get3A_69 = arith.index_cast %add3A_66 : i32 to index
      %get3A_70 = tpu.vector_load %arg4[%get3A_68, %get3A_69] {strides = array<i32>} : memref<2x10112xi32, #tpu.memory_space<vmem>>, vector<16xi32>,
      tpu.vector_store_idx %arg5[%get3A_70], %broadcast_in_dim3A_43 {add = true} : memref<10000xf32, #tpu.memory_space<vmem>>[vector<16xi32>], vector<16xf32>,
      %scan3A_71 = arith.constant 0 : i32
      %scan3A_72 = arith.constant 1 : i32
      %scan3A_73 = arith.addi %scan3A_62, %scan3A_72 : i32
      %mul3A_74 = arith.constant 16 : i32
      %mul3A_75 = arith.muli %scan3A_73, %mul3A_74 : i32
      %add3A_76 = arith.addi %sub3A_22, %mul3A_75 : i32
      %get3A_77 = arith.constant 1 : i32
      %get3A_78 = arith.index_cast %get3A_77 : i32 to index
      %get3A_79 = arith.index_cast %add3A_76 : i32 to index
      %get3A_80 = tpu.vector_load %arg4[%get3A_78, %get3A_79] {strides = array<i32>} : memref<2x10112xi32, #tpu.memory_space<vmem>>, vector<16xi32>,
      tpu.vector_store_idx %arg5[%get3A_80], %broadcast_in_dim3A_43 {add = true} : memref<10000xf32, #tpu.memory_space<vmem>>[vector<16xi32>], vector<16xf32>,
      %scan3A_81 = arith.constant 0 : i32
      %scan3A_82 = arith.constant 2 : i32
      %scan3A_83 = arith.addi %scan3A_62, %scan3A_82 : i32
      %mul3A_84 = arith.constant 16 : i32
      %mul3A_85 = arith.muli %scan3A_83, %mul3A_84 : i32
      %add3A_86 = arith.addi %sub3A_22, %mul3A_85 : i32
      %get3A_87 = arith.constant 1 : i32
      %get3A_88 = arith.index_cast %get3A_87 : i32 to index
      %get3A_89 = arith.index_cast %add3A_86 : i32 to index
      %get3A_90 = tpu.vector_load %arg4[%get3A_88, %get3A_89] {strides = array<i32>} : memref<2x10112xi32, #tpu.memory_space<vmem>>, vector<16xi32>,
      tpu.vector_store_idx %arg5[%get3A_90], %broadcast_in_dim3A_43 {add = true} : memref<10000xf32, #tpu.memory_space<vmem>>[vector<16xi32>], vector<16xf32>,
      %scan3A_91 = arith.constant 0 : i32
      %scan3A_92 = arith.constant 3 : i32
      %scan3A_93 = arith.addi %scan3A_62, %scan3A_92 : i32
      %mul3A_94 = arith.constant 16 : i32
      %mul3A_95 = arith.muli %scan3A_93, %mul3A_94 : i32
      %add3A_96 = arith.addi %sub3A_22, %mul3A_95 : i32
      %get3A_97 = arith.constant 1 : i32
      %get3A_98 = arith.index_cast %get3A_97 : i32 to index
      %get3A_99 = arith.index_cast %add3A_96 : i32 to index
      %get3A_100 = tpu.vector_load %arg4[%get3A_98, %get3A_99] {strides = array<i32>} : memref<2x10112xi32, #tpu.memory_space<vmem>>, vector<16xi32>,
      tpu.vector_store_idx %arg5[%get3A_100], %broadcast_in_dim3A_43 {add = true} : memref<10000xf32, #tpu.memory_space<vmem>>[vector<16xi32>], vector<16xf32>,
      %scan3A_101 = arith.constant 0 : i32
      %scan3A_102 = arith.constant 4 : i32
      %scan3A_103 = arith.addi %scan3A_62, %scan3A_102 : i32
      %mul3A_104 = arith.constant 16 : i32
      %mul3A_105 = arith.muli %scan3A_103, %mul3A_104 : i32
      %add3A_106 = arith.addi %sub3A_22, %mul3A_105 : i32
      %get3A_107 = arith.constant 1 : i32
      %get3A_108 = arith.index_cast %get3A_107 : i32 to index
      %get3A_109 = arith.index_cast %add3A_106 : i32 to index
      %get3A_110 = tpu.vector_load %arg4[%get3A_108, %get3A_109] {strides = array<i32>} : memref<2x10112xi32, #tpu.memory_space<vmem>>, vector<16xi32>,
      tpu.vector_store_idx %arg5[%get3A_110], %broadcast_in_dim3A_43 {add = true} : memref<10000xf32, #tpu.memory_space<vmem>>[vector<16xi32>], vector<16xf32>,
      %scan3A_111 = arith.constant 0 : i32
      %scan3A_112 = arith.constant 5 : i32
      %scan3A_113 = arith.addi %scan3A_62, %scan3A_112 : i32
      %mul3A_114 = arith.constant 16 : i32
      %mul3A_115 = arith.muli %scan3A_113, %mul3A_114 : i32
      %add3A_116 = arith.addi %sub3A_22, %mul3A_115 : i32
      %get3A_117 = arith.constant 1 : i32
      %get3A_118 = arith.index_cast %get3A_117 : i32 to index
      %get3A_119 = arith.index_cast %add3A_116 : i32 to index
      %get3A_120 = tpu.vector_load %arg4[%get3A_118, %get3A_119] {strides = array<i32>} : memref<2x10112xi32, #tpu.memory_space<vmem>>, vector<16xi32>,
      tpu.vector_store_idx %arg5[%get3A_120], %broadcast_in_dim3A_43 {add = true} : memref<10000xf32, #tpu.memory_space<vmem>>[vector<16xi32>], vector<16xf32>,
      %scan3A_121 = arith.constant 0 : i32
      %scan3A_122 = arith.constant 6 : i32
      %scan3A_123 = arith.addi %scan3A_62, %scan3A_122 : i32
      %mul3A_124 = arith.constant 16 : i32
      %mul3A_125 = arith.muli %scan3A_123, %mul3A_124 : i32
      %add3A_126 = arith.addi %sub3A_22, %mul3A_125 : i32
      %get3A_127 = arith.constant 1 : i32
      %get3A_128 = arith.index_cast %get3A_127 : i32 to index
      %get3A_129 = arith.index_cast %add3A_126 : i32 to index
      %get3A_130 = tpu.vector_load %arg4[%get3A_128, %get3A_129] {strides = array<i32>} : memref<2x10112xi32, #tpu.memory_space<vmem>>, vector<16xi32>,
      tpu.vector_store_idx %arg5[%get3A_130], %broadcast_in_dim3A_43 {add = true} : memref<10000xf32, #tpu.memory_space<vmem>>[vector<16xi32>], vector<16xf32>,
      %scan3A_131 = arith.constant 0 : i32
      %scan3A_132 = arith.constant 7 : i32
      %scan3A_133 = arith.addi %scan3A_62, %scan3A_132 : i32
      %mul3A_134 = arith.constant 16 : i32
      %mul3A_135 = arith.muli %scan3A_133, %mul3A_134 : i32
      %add3A_136 = arith.addi %sub3A_22, %mul3A_135 : i32
      %get3A_137 = arith.constant 1 : i32
      %get3A_138 = arith.index_cast %get3A_137 : i32 to index
      %get3A_139 = arith.index_cast %add3A_136 : i32 to index
      %get3A_140 = tpu.vector_load %arg4[%get3A_138, %get3A_139] {strides = array<i32>} : memref<2x10112xi32, #tpu.memory_space<vmem>>, vector<16xi32>,
      tpu.vector_store_idx %arg5[%get3A_140], %broadcast_in_dim3A_43 {add = true} : memref<10000xf32, #tpu.memory_space<vmem>>[vector<16xi32>], vector<16xf32>,
      %scan3A_141 = arith.constant 0 : i32
      %scan3A_142 = arith.constant 8 : i32
      %scan3A_143 = arith.addi %scan3A_62, %scan3A_142 : i32
      %mul3A_144 = arith.constant 16 : i32
      %mul3A_145 = arith.muli %scan3A_143, %mul3A_144 : i32
      %add3A_146 = arith.addi %sub3A_22, %mul3A_145 : i32
      %get3A_147 = arith.constant 1 : i32
      %get3A_148 = arith.index_cast %get3A_147 : i32 to index
      %get3A_149 = arith.index_cast %add3A_146 : i32 to index
      %get3A_150 = tpu.vector_load %arg4[%get3A_148, %get3A_149] {strides = array<i32>} : memref<2x10112xi32, #tpu.memory_space<vmem>>, vector<16xi32>,
      tpu.vector_store_idx %arg5[%get3A_150], %broadcast_in_dim3A_43 {add = true} : memref<10000xf32, #tpu.memory_space<vmem>>[vector<16xi32>], vector<16xf32>,
      %scan3A_151 = arith.constant 0 : i32
      %scan3A_152 = arith.constant 9 : i32
      %scan3A_153 = arith.addi %scan3A_62, %scan3A_152 : i32
      %mul3A_154 = arith.constant 16 : i32
      %mul3A_155 = arith.muli %scan3A_153, %mul3A_154 : i32
      %add3A_156 = arith.addi %sub3A_22, %mul3A_155 : i32
      %get3A_157 = arith.constant 1 : i32
      %get3A_158 = arith.index_cast %get3A_157 : i32 to index
      %get3A_159 = arith.index_cast %add3A_156 : i32 to index
      %get3A_160 = tpu.vector_load %arg4[%get3A_158, %get3A_159] {strides = array<i32>} : memref<2x10112xi32, #tpu.memory_space<vmem>>, vector<16xi32>,
      tpu.vector_store_idx %arg5[%get3A_160], %broadcast_in_dim3A_43 {add = true} : memref<10000xf32, #tpu.memory_space<vmem>>[vector<16xi32>], vector<16xf32>,
      %scan3A_161 = arith.constant 0 : i32
      %scan3A_162 = arith.constant 10 : i32
      %scan3A_163 = arith.addi %scan3A_62, %scan3A_162 : i32
      %mul3A_164 = arith.constant 16 : i32
      %mul3A_165 = arith.muli %scan3A_163, %mul3A_164 : i32
      %add3A_166 = arith.addi %sub3A_22, %mul3A_165 : i32
      %get3A_167 = arith.constant 1 : i32
      %get3A_168 = arith.index_cast %get3A_167 : i32 to index
      %get3A_169 = arith.index_cast %add3A_166 : i32 to index
      %get3A_170 = tpu.vector_load %arg4[%get3A_168, %get3A_169] {strides = array<i32>} : memref<2x10112xi32, #tpu.memory_space<vmem>>, vector<16xi32>,
      tpu.vector_store_idx %arg5[%get3A_170], %broadcast_in_dim3A_43 {add = true} : memref<10000xf32, #tpu.memory_space<vmem>>[vector<16xi32>], vector<16xf32>,
      %scan3A_171 = arith.constant 0 : i32
      %scan3A_172 = arith.constant 11 : i32
      %scan3A_173 = arith.addi %scan3A_62, %scan3A_172 : i32
      %mul3A_174 = arith.constant 16 : i32
      %mul3A_175 = arith.muli %scan3A_173, %mul3A_174 : i32
      %add3A_176 = arith.addi %sub3A_22, %mul3A_175 : i32
      %get3A_177 = arith.constant 1 : i32
      %get3A_178 = arith.index_cast %get3A_177 : i32 to index
      %get3A_179 = arith.index_cast %add3A_176 : i32 to index
      %get3A_180 = tpu.vector_load %arg4[%get3A_178, %get3A_179] {strides = array<i32>} : memref<2x10112xi32, #tpu.memory_space<vmem>>, vector<16xi32>,
      tpu.vector_store_idx %arg5[%get3A_180], %broadcast_in_dim3A_43 {add = true} : memref<10000xf32, #tpu.memory_space<vmem>>[vector<16xi32>], vector<16xf32>,
      %scan3A_181 = arith.constant 0 : i32
      %scan3A_182 = arith.constant 12 : i32
      %scan3A_183 = arith.addi %scan3A_62, %scan3A_182 : i32
      %mul3A_184 = arith.constant 16 : i32
      %mul3A_185 = arith.muli %scan3A_183, %mul3A_184 : i32
      %add3A_186 = arith.addi %sub3A_22, %mul3A_185 : i32
      %get3A_187 = arith.constant 1 : i32
      %get3A_188 = arith.index_cast %get3A_187 : i32 to index
      %get3A_189 = arith.index_cast %add3A_186 : i32 to index
      %get3A_190 = tpu.vector_load %arg4[%get3A_188, %get3A_189] {strides = array<i32>} : memref<2x10112xi32, #tpu.memory_space<vmem>>, vector<16xi32>,
      tpu.vector_store_idx %arg5[%get3A_190], %broadcast_in_dim3A_43 {add = true} : memref<10000xf32, #tpu.memory_space<vmem>>[vector<16xi32>], vector<16xf32>,
      %scan3A_191 = arith.constant 0 : i32
      %scan3A_192 = arith.constant 13 : i32
      %scan3A_193 = arith.addi %scan3A_62, %scan3A_192 : i32
      %mul3A_194 = arith.constant 16 : i32
      %mul3A_195 = arith.muli %scan3A_193, %mul3A_194 : i32
      %add3A_196 = arith.addi %sub3A_22, %mul3A_195 : i32
      %get3A_197 = arith.constant 1 : i32
      %get3A_198 = arith.index_cast %get3A_197 : i32 to index
      %get3A_199 = arith.index_cast %add3A_196 : i32 to index
      %get3A_200 = tpu.vector_load %arg4[%get3A_198, %get3A_199] {strides = array<i32>} : memref<2x10112xi32, #tpu.memory_space<vmem>>, vector<16xi32>,
      tpu.vector_store_idx %arg5[%get3A_200], %broadcast_in_dim3A_43 {add = true} : memref<10000xf32, #tpu.memory_space<vmem>>[vector<16xi32>], vector<16xf32>,
      %scan3A_201 = arith.constant 0 : i32
      %scan3A_202 = arith.constant 14 : i32
      %scan3A_203 = arith.addi %scan3A_62, %scan3A_202 : i32
      %mul3A_204 = arith.constant 16 : i32
      %mul3A_205 = arith.muli %scan3A_203, %mul3A_204 : i32
      %add3A_206 = arith.addi %sub3A_22, %mul3A_205 : i32
      %get3A_207 = arith.constant 1 : i32
      %get3A_208 = arith.index_cast %get3A_207 : i32 to index
      %get3A_209 = arith.index_cast %add3A_206 : i32 to index
      %get3A_210 = tpu.vector_load %arg4[%get3A_208, %get3A_209] {strides = array<i32>} : memref<2x10112xi32, #tpu.memory_space<vmem>>, vector<16xi32>,
      tpu.vector_store_idx %arg5[%get3A_210], %broadcast_in_dim3A_43 {add = true} : memref<10000xf32, #tpu.memory_space<vmem>>[vector<16xi32>], vector<16xf32>,
      %scan3A_211 = arith.constant 0 : i32
      %scan3A_212 = arith.constant 15 : i32
      %scan3A_213 = arith.addi %scan3A_62, %scan3A_212 : i32
      %mul3A_214 = arith.constant 16 : i32
      %mul3A_215 = arith.muli %scan3A_213, %mul3A_214 : i32
      %add3A_216 = arith.addi %sub3A_22, %mul3A_215 : i32
      %get3A_217 = arith.constant 1 : i32
      %get3A_218 = arith.index_cast %get3A_217 : i32 to index
      %get3A_219 = arith.index_cast %add3A_216 : i32 to index
      %get3A_220 = tpu.vector_load %arg4[%get3A_218, %get3A_219] {strides = array<i32>} : memref<2x10112xi32, #tpu.memory_space<vmem>>, vector<16xi32>,
      tpu.vector_store_idx %arg5[%get3A_220], %broadcast_in_dim3A_43 {add = true} : memref<10000xf32, #tpu.memory_space<vmem>>[vector<16xi32>], vector<16xf32>,
      %scan3A_221 = arith.constant 0 : i32
      scf.yield %scan3A_221 : i32
    }
    %scan3A_50 = arith.constant 624 : i32
    %scan3A_51 = arith.addi %scan3A_45, %scan3A_50 : i32
    %mul3A_52 = arith.constant 16 : i32
    %mul3A_53 = arith.muli %scan3A_51, %mul3A_52 : i32
    %add3A_54 = arith.addi %sub3A_22, %mul3A_53 : i32
    %get3A = arith.constant 1 : i32
    %get3A_55 = arith.index_cast %get3A : i32 to index
    %get3A_56 = arith.index_cast %add3A_54 : i32 to index
    %get3A_57 = tpu.vector_load %arg4[%get3A_55, %get3A_56] {strides = array<i32>} : memref<2x10112xi32, #tpu.memory_space<vmem>>, vector<16xi32>,
    tpu.vector_store_idx %arg5[%get3A_57], %broadcast_in_dim3A_43 {add = true} : memref<10000xf32, #tpu.memory_space<vmem>>[vector<16xi32>], vector<16xf32>,
    %scan3A_58 = arith.constant 0 : i32
    %scan3A_59 = arith.constant 625 : i32
    %mul3A_60 = arith.constant 10112 : i32
    %mul3A_61 = arith.muli %add3A, %mul3A_60 : i32
    "tpu.region"() ({
      %run_scoped3A = tpu.sem_alloc : memref<!tpu.dma_semaphore, #tpu.memory_space<semaphore_mem>>
      %dma_start3A_62 = tpu.memref_slice %arg3[%mul3A_61] : memref<323584xf32, #tpu.memory_space<hbm>> -> memref<10000xf32, #tpu.memory_space<hbm>>
      %dma_start3A_63 = tpu.memref_slice %arg3[%mul3A_61] : memref<323584xf32, #tpu.memory_space<hbm>> -> memref<10000xf32, #tpu.memory_space<hbm>>
      tpu.enqueue_dma source(%arg5 : memref<10000xf32, #tpu.memory_space<vmem>>) target(%dma_start3A_63 : memref<10000xf32, #tpu.memory_space<hbm>>) target_semaphore(%run_scoped3A : memref<!tpu.dma_semaphore, #tpu.memory_space<semaphore_mem>>)
      %dma_wait3A_64 = tpu.memref_slice %arg3[%mul3A_61] : memref<323584xf32, #tpu.memory_space<hbm>> -> memref<10000xf32, #tpu.memory_space<hbm>>
      %dma_wait3A_65 = tpu.memref_slice %arg3[%mul3A_61] : memref<323584xf32, #tpu.memory_space<hbm>> -> memref<10000xf32, #tpu.memory_space<hbm>>
      tpu.wait_dma2 semaphore(%run_scoped3A : memref<!tpu.dma_semaphore, #tpu.memory_space<semaphore_mem>>) src(%arg5 : memref<10000xf32, #tpu.memory_space<vmem>>) dst(%dma_wait3A_65 : memref<10000xf32, #tpu.memory_space<hbm>>)
      tpu.yield
    }) : () -> ()
    return
  }
}

module attributes {stable_mosaic.version = 14 : i64} {
  func.func @body(%arg0: memref<323584xf32, #tpu.memory_space<vmem>>, %arg1: memref<10000xf32, #tpu.memory_space<vmem>>, %arg2: memref<10000xf32, #tpu.memory_space<vmem>>, %arg3: memref<1x128xf32, #tpu.memory_space<vmem>>, %arg4: memref<1x128xf32, #tpu.memory_space<vmem>>, %arg5: memref<1x1xf32, #tpu.memory_space<vmem>>, %arg6: memref<10000xf32, #tpu.memory_space<vmem>>) attributes {dimension_semantics = [], scalar_prefetch = 0 : i64, scratch_operands = 0 : i64, tpu.core_type = #tpu.core_type<tc>} {
    %get3A = arith.constant 0 : index
    %get3A_0 = arith.constant 0 : index
    %get3A_1 = vector.load %arg3[%get3A, %get3A_0] : memref<1x128xf32, #tpu.memory_space<vmem>>, vector<1x128xf32>
    %get3A_2 = arith.constant 0 : index
    %get3A_3 = arith.constant 0 : index
    %get3A_4 = vector.load %arg4[%get3A_2, %get3A_3] : memref<1x128xf32, #tpu.memory_space<vmem>>, vector<1x128xf32>
    %mul3A = arith.mulf %get3A_1, %get3A_4 : vector<1x128xf32>
    %reduce_sum3A = vector.shape_cast %mul3A : vector<1x128xf32> to vector<1x1x128xf32>
    %reduce_sum3A_5 = arith.constant dense<0.000000e+00> : vector<1xf32>
    %reduce_sum3A_6 = vector.multi_reduction <add>, %reduce_sum3A, %reduce_sum3A_5 [1, 2] : vector<1x1x128xf32> to vector<1xf32>
    %reduce_sum3A_7 = vector.shape_cast %reduce_sum3A_6 : vector<1xf32> to vector<1x1x1xf32>
    %reduce_sum3A_8 = vector.extract %reduce_sum3A_7[0, 0, 0] : f32 from vector<1x1x1xf32>
    %get3A_9 = arith.constant 0 : index
    %get3A_10 = arith.constant 0 : index
    %get3A_11 = vector.load %arg5[%get3A_9, %get3A_10] : memref<1x1xf32, #tpu.memory_space<vmem>>, vector<1x1xf32>
    %reduce_sum3A_12 = vector.shape_cast %get3A_11 : vector<1x1xf32> to vector<1x1x1xf32>
    %reduce_sum3A_13 = arith.constant dense<0.000000e+00> : vector<1xf32>
    %reduce_sum3A_14 = vector.multi_reduction <add>, %reduce_sum3A_12, %reduce_sum3A_13 [1, 2] : vector<1x1x1xf32> to vector<1xf32>
    %reduce_sum3A_15 = vector.shape_cast %reduce_sum3A_14 : vector<1xf32> to vector<1x1x1xf32>
    %reduce_sum3A_16 = vector.extract %reduce_sum3A_15[0, 0, 0] : f32 from vector<1x1x1xf32>
    %add3A = arith.addf %reduce_sum3A_8, %reduce_sum3A_16 : f32
    %get3A_17 = arith.constant 0 : index
    %get3A_18 = vector.load %arg0[%get3A_17] : memref<323584xf32, #tpu.memory_space<vmem>>, vector<10000xf32>
    %get3A_19 = arith.constant 10112 : index
    %get3A_20 = vector.load %arg0[%get3A_19] : memref<323584xf32, #tpu.memory_space<vmem>>, vector<10000xf32>
    %add3A_21 = arith.addf %get3A_18, %get3A_20 : vector<10000xf32>
    %get3A_22 = arith.constant 20224 : index
    %get3A_23 = vector.load %arg0[%get3A_22] : memref<323584xf32, #tpu.memory_space<vmem>>, vector<10000xf32>
    %add3A_24 = arith.addf %add3A_21, %get3A_23 : vector<10000xf32>
    %get3A_25 = arith.constant 30336 : index
    %get3A_26 = vector.load %arg0[%get3A_25] : memref<323584xf32, #tpu.memory_space<vmem>>, vector<10000xf32>
    %add3A_27 = arith.addf %add3A_24, %get3A_26 : vector<10000xf32>
    %get3A_28 = arith.constant 40448 : index
    %get3A_29 = vector.load %arg0[%get3A_28] : memref<323584xf32, #tpu.memory_space<vmem>>, vector<10000xf32>
    %add3A_30 = arith.addf %add3A_27, %get3A_29 : vector<10000xf32>
    %get3A_31 = arith.constant 50560 : index
    %get3A_32 = vector.load %arg0[%get3A_31] : memref<323584xf32, #tpu.memory_space<vmem>>, vector<10000xf32>
    %add3A_33 = arith.addf %add3A_30, %get3A_32 : vector<10000xf32>
    %get3A_34 = arith.constant 60672 : index
    %get3A_35 = vector.load %arg0[%get3A_34] : memref<323584xf32, #tpu.memory_space<vmem>>, vector<10000xf32>
    %add3A_36 = arith.addf %add3A_33, %get3A_35 : vector<10000xf32>
    %get3A_37 = arith.constant 70784 : index
    %get3A_38 = vector.load %arg0[%get3A_37] : memref<323584xf32, #tpu.memory_space<vmem>>, vector<10000xf32>
    %add3A_39 = arith.addf %add3A_36, %get3A_38 : vector<10000xf32>
    %get3A_40 = arith.constant 80896 : index
    %get3A_41 = vector.load %arg0[%get3A_40] : memref<323584xf32, #tpu.memory_space<vmem>>, vector<10000xf32>
    %add3A_42 = arith.addf %add3A_39, %get3A_41 : vector<10000xf32>
    %get3A_43 = arith.constant 91008 : index
    %get3A_44 = vector.load %arg0[%get3A_43] : memref<323584xf32, #tpu.memory_space<vmem>>, vector<10000xf32>
    %add3A_45 = arith.addf %add3A_42, %get3A_44 : vector<10000xf32>
    %get3A_46 = arith.constant 101120 : index
    %get3A_47 = vector.load %arg0[%get3A_46] : memref<323584xf32, #tpu.memory_space<vmem>>, vector<10000xf32>
    %add3A_48 = arith.addf %add3A_45, %get3A_47 : vector<10000xf32>
    %get3A_49 = arith.constant 111232 : index
    %get3A_50 = vector.load %arg0[%get3A_49] : memref<323584xf32, #tpu.memory_space<vmem>>, vector<10000xf32>
    %add3A_51 = arith.addf %add3A_48, %get3A_50 : vector<10000xf32>
    %get3A_52 = arith.constant 121344 : index
    %get3A_53 = vector.load %arg0[%get3A_52] : memref<323584xf32, #tpu.memory_space<vmem>>, vector<10000xf32>
    %add3A_54 = arith.addf %add3A_51, %get3A_53 : vector<10000xf32>
    %get3A_55 = arith.constant 131456 : index
    %get3A_56 = vector.load %arg0[%get3A_55] : memref<323584xf32, #tpu.memory_space<vmem>>, vector<10000xf32>
    %add3A_57 = arith.addf %add3A_54, %get3A_56 : vector<10000xf32>
    %get3A_58 = arith.constant 141568 : index
    %get3A_59 = vector.load %arg0[%get3A_58] : memref<323584xf32, #tpu.memory_space<vmem>>, vector<10000xf32>
    %add3A_60 = arith.addf %add3A_57, %get3A_59 : vector<10000xf32>
    %get3A_61 = arith.constant 151680 : index
    %get3A_62 = vector.load %arg0[%get3A_61] : memref<323584xf32, #tpu.memory_space<vmem>>, vector<10000xf32>
    %add3A_63 = arith.addf %add3A_60, %get3A_62 : vector<10000xf32>
    %get3A_64 = arith.constant 161792 : index
    %get3A_65 = vector.load %arg0[%get3A_64] : memref<323584xf32, #tpu.memory_space<vmem>>, vector<10000xf32>
    %add3A_66 = arith.addf %add3A_63, %get3A_65 : vector<10000xf32>
    %get3A_67 = arith.constant 171904 : index
    %get3A_68 = vector.load %arg0[%get3A_67] : memref<323584xf32, #tpu.memory_space<vmem>>, vector<10000xf32>
    %add3A_69 = arith.addf %add3A_66, %get3A_68 : vector<10000xf32>
    %get3A_70 = arith.constant 182016 : index
    %get3A_71 = vector.load %arg0[%get3A_70] : memref<323584xf32, #tpu.memory_space<vmem>>, vector<10000xf32>
    %add3A_72 = arith.addf %add3A_69, %get3A_71 : vector<10000xf32>
    %get3A_73 = arith.constant 192128 : index
    %get3A_74 = vector.load %arg0[%get3A_73] : memref<323584xf32, #tpu.memory_space<vmem>>, vector<10000xf32>
    %add3A_75 = arith.addf %add3A_72, %get3A_74 : vector<10000xf32>
    %get3A_76 = arith.constant 202240 : index
    %get3A_77 = vector.load %arg0[%get3A_76] : memref<323584xf32, #tpu.memory_space<vmem>>, vector<10000xf32>
    %add3A_78 = arith.addf %add3A_75, %get3A_77 : vector<10000xf32>
    %get3A_79 = arith.constant 212352 : index
    %get3A_80 = vector.load %arg0[%get3A_79] : memref<323584xf32, #tpu.memory_space<vmem>>, vector<10000xf32>
    %add3A_81 = arith.addf %add3A_78, %get3A_80 : vector<10000xf32>
    %get3A_82 = arith.constant 222464 : index
    %get3A_83 = vector.load %arg0[%get3A_82] : memref<323584xf32, #tpu.memory_space<vmem>>, vector<10000xf32>
    %add3A_84 = arith.addf %add3A_81, %get3A_83 : vector<10000xf32>
    %get3A_85 = arith.constant 232576 : index
    %get3A_86 = vector.load %arg0[%get3A_85] : memref<323584xf32, #tpu.memory_space<vmem>>, vector<10000xf32>
    %add3A_87 = arith.addf %add3A_84, %get3A_86 : vector<10000xf32>
    %get3A_88 = arith.constant 242688 : index
    %get3A_89 = vector.load %arg0[%get3A_88] : memref<323584xf32, #tpu.memory_space<vmem>>, vector<10000xf32>
    %add3A_90 = arith.addf %add3A_87, %get3A_89 : vector<10000xf32>
    %get3A_91 = arith.constant 252800 : index
    %get3A_92 = vector.load %arg0[%get3A_91] : memref<323584xf32, #tpu.memory_space<vmem>>, vector<10000xf32>
    %add3A_93 = arith.addf %add3A_90, %get3A_92 : vector<10000xf32>
    %get3A_94 = arith.constant 262912 : index
    %get3A_95 = vector.load %arg0[%get3A_94] : memref<323584xf32, #tpu.memory_space<vmem>>, vector<10000xf32>
    %add3A_96 = arith.addf %add3A_93, %get3A_95 : vector<10000xf32>
    %get3A_97 = arith.constant 273024 : index
    %get3A_98 = vector.load %arg0[%get3A_97] : memref<323584xf32, #tpu.memory_space<vmem>>, vector<10000xf32>
    %add3A_99 = arith.addf %add3A_96, %get3A_98 : vector<10000xf32>
    %get3A_100 = arith.constant 283136 : index
    %get3A_101 = vector.load %arg0[%get3A_100] : memref<323584xf32, #tpu.memory_space<vmem>>, vector<10000xf32>
    %add3A_102 = arith.addf %add3A_99, %get3A_101 : vector<10000xf32>
    %get3A_103 = arith.constant 293248 : index
    %get3A_104 = vector.load %arg0[%get3A_103] : memref<323584xf32, #tpu.memory_space<vmem>>, vector<10000xf32>
    %add3A_105 = arith.addf %add3A_102, %get3A_104 : vector<10000xf32>
    %get3A_106 = arith.constant 303360 : index
    %get3A_107 = vector.load %arg0[%get3A_106] : memref<323584xf32, #tpu.memory_space<vmem>>, vector<10000xf32>
    %add3A_108 = arith.addf %add3A_105, %get3A_107 : vector<10000xf32>
    %get3A_109 = arith.constant 313472 : index
    %get3A_110 = vector.load %arg0[%get3A_109] : memref<323584xf32, #tpu.memory_space<vmem>>, vector<10000xf32>
    %add3A_111 = arith.addf %add3A_108, %get3A_110 : vector<10000xf32>
    %get3A_112 = arith.constant 0 : index
    %get3A_113 = vector.load %arg2[%get3A_112] : memref<10000xf32, #tpu.memory_space<vmem>>, vector<10000xf32>
    %get3A_114 = arith.constant 0 : index
    %get3A_115 = vector.load %arg1[%get3A_114] : memref<10000xf32, #tpu.memory_space<vmem>>, vector<10000xf32>
    %add3A_116 = arith.addf %add3A_111, %get3A_115 : vector<10000xf32>
    %mul3A_117 = arith.mulf %get3A_113, %add3A_116 : vector<10000xf32>
    %add3A_118 = vector.broadcast %add3A : f32 to vector<10000xf32>
    %add3A_119 = arith.addf %mul3A_117, %add3A_118 : vector<10000xf32>
    %swap3A = arith.constant 0 : index
    %swap3A_120 = vector.load %arg6[%swap3A] : memref<10000xf32, #tpu.memory_space<vmem>>, vector<10000xf32>
    tpu.vector_store %arg6[%swap3A], %add3A_119 {strides = array<i32>} : memref<10000xf32, #tpu.memory_space<vmem>>, vector<10000xf32>,
    return
  }
}

module attributes {stable_mosaic.version = 14 : i64} {
  func.func @body(%arg0: memref<323584xf32, #tpu.memory_space<vmem>>, %arg1: memref<10000xf32, #tpu.memory_space<vmem>>, %arg2: memref<10000xf32, #tpu.memory_space<vmem>>, %arg3: memref<128x128xf32, #tpu.memory_space<vmem>>, %arg4: memref<1x128xf32, #tpu.memory_space<vmem>>, %arg5: memref<1x128xf32, #tpu.memory_space<vmem>>, %arg6: memref<10000xf32, #tpu.memory_space<vmem>>) attributes {dimension_semantics = [], scalar_prefetch = 0 : i64, scratch_operands = 0 : i64, tpu.core_type = #tpu.core_type<tc>} {
    %get3A = arith.constant 0 : index
    %get3A_0 = arith.constant 0 : index
    %get3A_1 = vector.load %arg4[%get3A, %get3A_0] : memref<1x128xf32, #tpu.memory_space<vmem>>, vector<1x128xf32>
    %get3A_2 = arith.constant 0 : index
    %get3A_3 = arith.constant 0 : index
    %get3A_4 = vector.load %arg3[%get3A_2, %get3A_3] : memref<128x128xf32, #tpu.memory_space<vmem>>, vector<128x128xf32>
    %dot_general3A = arith.constant dense<0.000000e+00> : vector<1x128xf32>
    %dot_general3A_5 = tpu.matmul %get3A_1, %get3A_4, %dot_general3A {dimension_numbers = #tpu.dot_dimension_numbers<[1], [1], [0], [0], [0, 0, 1, 0], [], []>, transpose_lhs_hint = false} : vector<1x128xf32>, vector<128x128xf32>, vector<1x128xf32> -> vector<1x128xf32>
    %get3A_6 = arith.constant 0 : index
    %get3A_7 = arith.constant 0 : index
    %get3A_8 = vector.load %arg5[%get3A_6, %get3A_7] : memref<1x128xf32, #tpu.memory_space<vmem>>, vector<1x128xf32>
    %mul3A = arith.mulf %dot_general3A_5, %get3A_8 : vector<1x128xf32>
    %reduce_sum3A = vector.shape_cast %mul3A : vector<1x128xf32> to vector<1x1x128xf32>
    %reduce_sum3A_9 = arith.constant dense<0.000000e+00> : vector<1xf32>
    %reduce_sum3A_10 = vector.multi_reduction <add>, %reduce_sum3A, %reduce_sum3A_9 [1, 2] : vector<1x1x128xf32> to vector<1xf32>
    %reduce_sum3A_11 = vector.shape_cast %reduce_sum3A_10 : vector<1xf32> to vector<1x1x1xf32>
    %reduce_sum3A_12 = vector.extract %reduce_sum3A_11[0, 0, 0] : f32 from vector<1x1x1xf32>
    %get3A_13 = arith.constant 0 : index
    %get3A_14 = vector.load %arg0[%get3A_13] : memref<323584xf32, #tpu.memory_space<vmem>>, vector<10000xf32>
    %get3A_15 = arith.constant 10112 : index
    %get3A_16 = vector.load %arg0[%get3A_15] : memref<323584xf32, #tpu.memory_space<vmem>>, vector<10000xf32>
    %add3A = arith.addf %get3A_14, %get3A_16 : vector<10000xf32>
    %get3A_17 = arith.constant 20224 : index
    %get3A_18 = vector.load %arg0[%get3A_17] : memref<323584xf32, #tpu.memory_space<vmem>>, vector<10000xf32>
    %add3A_19 = arith.addf %add3A, %get3A_18 : vector<10000xf32>
    %get3A_20 = arith.constant 30336 : index
    %get3A_21 = vector.load %arg0[%get3A_20] : memref<323584xf32, #tpu.memory_space<vmem>>, vector<10000xf32>
    %add3A_22 = arith.addf %add3A_19, %get3A_21 : vector<10000xf32>
    %get3A_23 = arith.constant 40448 : index
    %get3A_24 = vector.load %arg0[%get3A_23] : memref<323584xf32, #tpu.memory_space<vmem>>, vector<10000xf32>
    %add3A_25 = arith.addf %add3A_22, %get3A_24 : vector<10000xf32>
    %get3A_26 = arith.constant 50560 : index
    %get3A_27 = vector.load %arg0[%get3A_26] : memref<323584xf32, #tpu.memory_space<vmem>>, vector<10000xf32>
    %add3A_28 = arith.addf %add3A_25, %get3A_27 : vector<10000xf32>
    %get3A_29 = arith.constant 60672 : index
    %get3A_30 = vector.load %arg0[%get3A_29] : memref<323584xf32, #tpu.memory_space<vmem>>, vector<10000xf32>
    %add3A_31 = arith.addf %add3A_28, %get3A_30 : vector<10000xf32>
    %get3A_32 = arith.constant 70784 : index
    %get3A_33 = vector.load %arg0[%get3A_32] : memref<323584xf32, #tpu.memory_space<vmem>>, vector<10000xf32>
    %add3A_34 = arith.addf %add3A_31, %get3A_33 : vector<10000xf32>
    %get3A_35 = arith.constant 80896 : index
    %get3A_36 = vector.load %arg0[%get3A_35] : memref<323584xf32, #tpu.memory_space<vmem>>, vector<10000xf32>
    %add3A_37 = arith.addf %add3A_34, %get3A_36 : vector<10000xf32>
    %get3A_38 = arith.constant 91008 : index
    %get3A_39 = vector.load %arg0[%get3A_38] : memref<323584xf32, #tpu.memory_space<vmem>>, vector<10000xf32>
    %add3A_40 = arith.addf %add3A_37, %get3A_39 : vector<10000xf32>
    %get3A_41 = arith.constant 101120 : index
    %get3A_42 = vector.load %arg0[%get3A_41] : memref<323584xf32, #tpu.memory_space<vmem>>, vector<10000xf32>
    %add3A_43 = arith.addf %add3A_40, %get3A_42 : vector<10000xf32>
    %get3A_44 = arith.constant 111232 : index
    %get3A_45 = vector.load %arg0[%get3A_44] : memref<323584xf32, #tpu.memory_space<vmem>>, vector<10000xf32>
    %add3A_46 = arith.addf %add3A_43, %get3A_45 : vector<10000xf32>
    %get3A_47 = arith.constant 121344 : index
    %get3A_48 = vector.load %arg0[%get3A_47] : memref<323584xf32, #tpu.memory_space<vmem>>, vector<10000xf32>
    %add3A_49 = arith.addf %add3A_46, %get3A_48 : vector<10000xf32>
    %get3A_50 = arith.constant 131456 : index
    %get3A_51 = vector.load %arg0[%get3A_50] : memref<323584xf32, #tpu.memory_space<vmem>>, vector<10000xf32>
    %add3A_52 = arith.addf %add3A_49, %get3A_51 : vector<10000xf32>
    %get3A_53 = arith.constant 141568 : index
    %get3A_54 = vector.load %arg0[%get3A_53] : memref<323584xf32, #tpu.memory_space<vmem>>, vector<10000xf32>
    %add3A_55 = arith.addf %add3A_52, %get3A_54 : vector<10000xf32>
    %get3A_56 = arith.constant 151680 : index
    %get3A_57 = vector.load %arg0[%get3A_56] : memref<323584xf32, #tpu.memory_space<vmem>>, vector<10000xf32>
    %add3A_58 = arith.addf %add3A_55, %get3A_57 : vector<10000xf32>
    %get3A_59 = arith.constant 161792 : index
    %get3A_60 = vector.load %arg0[%get3A_59] : memref<323584xf32, #tpu.memory_space<vmem>>, vector<10000xf32>
    %add3A_61 = arith.addf %add3A_58, %get3A_60 : vector<10000xf32>
    %get3A_62 = arith.constant 171904 : index
    %get3A_63 = vector.load %arg0[%get3A_62] : memref<323584xf32, #tpu.memory_space<vmem>>, vector<10000xf32>
    %add3A_64 = arith.addf %add3A_61, %get3A_63 : vector<10000xf32>
    %get3A_65 = arith.constant 182016 : index
    %get3A_66 = vector.load %arg0[%get3A_65] : memref<323584xf32, #tpu.memory_space<vmem>>, vector<10000xf32>
    %add3A_67 = arith.addf %add3A_64, %get3A_66 : vector<10000xf32>
    %get3A_68 = arith.constant 192128 : index
    %get3A_69 = vector.load %arg0[%get3A_68] : memref<323584xf32, #tpu.memory_space<vmem>>, vector<10000xf32>
    %add3A_70 = arith.addf %add3A_67, %get3A_69 : vector<10000xf32>
    %get3A_71 = arith.constant 202240 : index
    %get3A_72 = vector.load %arg0[%get3A_71] : memref<323584xf32, #tpu.memory_space<vmem>>, vector<10000xf32>
    %add3A_73 = arith.addf %add3A_70, %get3A_72 : vector<10000xf32>
    %get3A_74 = arith.constant 212352 : index
    %get3A_75 = vector.load %arg0[%get3A_74] : memref<323584xf32, #tpu.memory_space<vmem>>, vector<10000xf32>
    %add3A_76 = arith.addf %add3A_73, %get3A_75 : vector<10000xf32>
    %get3A_77 = arith.constant 222464 : index
    %get3A_78 = vector.load %arg0[%get3A_77] : memref<323584xf32, #tpu.memory_space<vmem>>, vector<10000xf32>
    %add3A_79 = arith.addf %add3A_76, %get3A_78 : vector<10000xf32>
    %get3A_80 = arith.constant 232576 : index
    %get3A_81 = vector.load %arg0[%get3A_80] : memref<323584xf32, #tpu.memory_space<vmem>>, vector<10000xf32>
    %add3A_82 = arith.addf %add3A_79, %get3A_81 : vector<10000xf32>
    %get3A_83 = arith.constant 242688 : index
    %get3A_84 = vector.load %arg0[%get3A_83] : memref<323584xf32, #tpu.memory_space<vmem>>, vector<10000xf32>
    %add3A_85 = arith.addf %add3A_82, %get3A_84 : vector<10000xf32>
    %get3A_86 = arith.constant 252800 : index
    %get3A_87 = vector.load %arg0[%get3A_86] : memref<323584xf32, #tpu.memory_space<vmem>>, vector<10000xf32>
    %add3A_88 = arith.addf %add3A_85, %get3A_87 : vector<10000xf32>
    %get3A_89 = arith.constant 262912 : index
    %get3A_90 = vector.load %arg0[%get3A_89] : memref<323584xf32, #tpu.memory_space<vmem>>, vector<10000xf32>
    %add3A_91 = arith.addf %add3A_88, %get3A_90 : vector<10000xf32>
    %get3A_92 = arith.constant 273024 : index
    %get3A_93 = vector.load %arg0[%get3A_92] : memref<323584xf32, #tpu.memory_space<vmem>>, vector<10000xf32>
    %add3A_94 = arith.addf %add3A_91, %get3A_93 : vector<10000xf32>
    %get3A_95 = arith.constant 283136 : index
    %get3A_96 = vector.load %arg0[%get3A_95] : memref<323584xf32, #tpu.memory_space<vmem>>, vector<10000xf32>
    %add3A_97 = arith.addf %add3A_94, %get3A_96 : vector<10000xf32>
    %get3A_98 = arith.constant 293248 : index
    %get3A_99 = vector.load %arg0[%get3A_98] : memref<323584xf32, #tpu.memory_space<vmem>>, vector<10000xf32>
    %add3A_100 = arith.addf %add3A_97, %get3A_99 : vector<10000xf32>
    %get3A_101 = arith.constant 303360 : index
    %get3A_102 = vector.load %arg0[%get3A_101] : memref<323584xf32, #tpu.memory_space<vmem>>, vector<10000xf32>
    %add3A_103 = arith.addf %add3A_100, %get3A_102 : vector<10000xf32>
    %get3A_104 = arith.constant 313472 : index
    %get3A_105 = vector.load %arg0[%get3A_104] : memref<323584xf32, #tpu.memory_space<vmem>>, vector<10000xf32>
    %add3A_106 = arith.addf %add3A_103, %get3A_105 : vector<10000xf32>
    %get3A_107 = arith.constant 0 : index
    %get3A_108 = vector.load %arg2[%get3A_107] : memref<10000xf32, #tpu.memory_space<vmem>>, vector<10000xf32>
    %get3A_109 = arith.constant 0 : index
    %get3A_110 = vector.load %arg1[%get3A_109] : memref<10000xf32, #tpu.memory_space<vmem>>, vector<10000xf32>
    %add3A_111 = arith.addf %add3A_106, %get3A_110 : vector<10000xf32>
    %mul3A_112 = arith.mulf %get3A_108, %add3A_111 : vector<10000xf32>
    %add3A_113 = vector.broadcast %reduce_sum3A_12 : f32 to vector<10000xf32>
    %add3A_114 = arith.addf %mul3A_112, %add3A_113 : vector<10000xf32>
    %get3A_115 = arith.constant 0 : index
    %get3A_116 = vector.load %arg2[%get3A_115] : memref<10000xf32, #tpu.memory_space<vmem>>, vector<10000xf32>
    %mul3A_117 = arith.mulf %get3A_116, %add3A_114 : vector<10000xf32>
    %swap3A = arith.constant 0 : index
    %swap3A_118 = vector.load %arg6[%swap3A] : memref<10000xf32, #tpu.memory_space<vmem>>, vector<10000xf32>
    tpu.vector_store %arg6[%swap3A], %mul3A_117 {strides = array<i32>} : memref<10000xf32, #tpu.memory_space<vmem>>, vector<10000xf32>,
    return
  }
}

module attributes {stable_mosaic.version = 14 : i64} {
  func.func @body(%arg0: memref<10000xf32, #tpu.memory_space<vmem>>, %arg1: memref<323584xf32, #tpu.memory_space<vmem>>, %arg2: memref<10000xf32, #tpu.memory_space<vmem>>, %arg3: memref<10000xf32, #tpu.memory_space<vmem>>) attributes {dimension_semantics = [], scalar_prefetch = 0 : i64, scratch_operands = 0 : i64, tpu.core_type = #tpu.core_type<tc>} {
    %get3A = arith.constant 0 : index
    %get3A_0 = vector.load %arg1[%get3A] : memref<323584xf32, #tpu.memory_space<vmem>>, vector<10000xf32>
    %get3A_1 = arith.constant 10112 : index
    %get3A_2 = vector.load %arg1[%get3A_1] : memref<323584xf32, #tpu.memory_space<vmem>>, vector<10000xf32>
    %add3A = arith.addf %get3A_0, %get3A_2 : vector<10000xf32>
    %get3A_3 = arith.constant 20224 : index
    %get3A_4 = vector.load %arg1[%get3A_3] : memref<323584xf32, #tpu.memory_space<vmem>>, vector<10000xf32>
    %add3A_5 = arith.addf %add3A, %get3A_4 : vector<10000xf32>
    %get3A_6 = arith.constant 30336 : index
    %get3A_7 = vector.load %arg1[%get3A_6] : memref<323584xf32, #tpu.memory_space<vmem>>, vector<10000xf32>
    %add3A_8 = arith.addf %add3A_5, %get3A_7 : vector<10000xf32>
    %get3A_9 = arith.constant 40448 : index
    %get3A_10 = vector.load %arg1[%get3A_9] : memref<323584xf32, #tpu.memory_space<vmem>>, vector<10000xf32>
    %add3A_11 = arith.addf %add3A_8, %get3A_10 : vector<10000xf32>
    %get3A_12 = arith.constant 50560 : index
    %get3A_13 = vector.load %arg1[%get3A_12] : memref<323584xf32, #tpu.memory_space<vmem>>, vector<10000xf32>
    %add3A_14 = arith.addf %add3A_11, %get3A_13 : vector<10000xf32>
    %get3A_15 = arith.constant 60672 : index
    %get3A_16 = vector.load %arg1[%get3A_15] : memref<323584xf32, #tpu.memory_space<vmem>>, vector<10000xf32>
    %add3A_17 = arith.addf %add3A_14, %get3A_16 : vector<10000xf32>
    %get3A_18 = arith.constant 70784 : index
    %get3A_19 = vector.load %arg1[%get3A_18] : memref<323584xf32, #tpu.memory_space<vmem>>, vector<10000xf32>
    %add3A_20 = arith.addf %add3A_17, %get3A_19 : vector<10000xf32>
    %get3A_21 = arith.constant 80896 : index
    %get3A_22 = vector.load %arg1[%get3A_21] : memref<323584xf32, #tpu.memory_space<vmem>>, vector<10000xf32>
    %add3A_23 = arith.addf %add3A_20, %get3A_22 : vector<10000xf32>
    %get3A_24 = arith.constant 91008 : index
    %get3A_25 = vector.load %arg1[%get3A_24] : memref<323584xf32, #tpu.memory_space<vmem>>, vector<10000xf32>
    %add3A_26 = arith.addf %add3A_23, %get3A_25 : vector<10000xf32>
    %get3A_27 = arith.constant 101120 : index
    %get3A_28 = vector.load %arg1[%get3A_27] : memref<323584xf32, #tpu.memory_space<vmem>>, vector<10000xf32>
    %add3A_29 = arith.addf %add3A_26, %get3A_28 : vector<10000xf32>
    %get3A_30 = arith.constant 111232 : index
    %get3A_31 = vector.load %arg1[%get3A_30] : memref<323584xf32, #tpu.memory_space<vmem>>, vector<10000xf32>
    %add3A_32 = arith.addf %add3A_29, %get3A_31 : vector<10000xf32>
    %get3A_33 = arith.constant 121344 : index
    %get3A_34 = vector.load %arg1[%get3A_33] : memref<323584xf32, #tpu.memory_space<vmem>>, vector<10000xf32>
    %add3A_35 = arith.addf %add3A_32, %get3A_34 : vector<10000xf32>
    %get3A_36 = arith.constant 131456 : index
    %get3A_37 = vector.load %arg1[%get3A_36] : memref<323584xf32, #tpu.memory_space<vmem>>, vector<10000xf32>
    %add3A_38 = arith.addf %add3A_35, %get3A_37 : vector<10000xf32>
    %get3A_39 = arith.constant 141568 : index
    %get3A_40 = vector.load %arg1[%get3A_39] : memref<323584xf32, #tpu.memory_space<vmem>>, vector<10000xf32>
    %add3A_41 = arith.addf %add3A_38, %get3A_40 : vector<10000xf32>
    %get3A_42 = arith.constant 151680 : index
    %get3A_43 = vector.load %arg1[%get3A_42] : memref<323584xf32, #tpu.memory_space<vmem>>, vector<10000xf32>
    %add3A_44 = arith.addf %add3A_41, %get3A_43 : vector<10000xf32>
    %get3A_45 = arith.constant 161792 : index
    %get3A_46 = vector.load %arg1[%get3A_45] : memref<323584xf32, #tpu.memory_space<vmem>>, vector<10000xf32>
    %add3A_47 = arith.addf %add3A_44, %get3A_46 : vector<10000xf32>
    %get3A_48 = arith.constant 171904 : index
    %get3A_49 = vector.load %arg1[%get3A_48] : memref<323584xf32, #tpu.memory_space<vmem>>, vector<10000xf32>
    %add3A_50 = arith.addf %add3A_47, %get3A_49 : vector<10000xf32>
    %get3A_51 = arith.constant 182016 : index
    %get3A_52 = vector.load %arg1[%get3A_51] : memref<323584xf32, #tpu.memory_space<vmem>>, vector<10000xf32>
    %add3A_53 = arith.addf %add3A_50, %get3A_52 : vector<10000xf32>
    %get3A_54 = arith.constant 192128 : index
    %get3A_55 = vector.load %arg1[%get3A_54] : memref<323584xf32, #tpu.memory_space<vmem>>, vector<10000xf32>
    %add3A_56 = arith.addf %add3A_53, %get3A_55 : vector<10000xf32>
    %get3A_57 = arith.constant 202240 : index
    %get3A_58 = vector.load %arg1[%get3A_57] : memref<323584xf32, #tpu.memory_space<vmem>>, vector<10000xf32>
    %add3A_59 = arith.addf %add3A_56, %get3A_58 : vector<10000xf32>
    %get3A_60 = arith.constant 212352 : index
    %get3A_61 = vector.load %arg1[%get3A_60] : memref<323584xf32, #tpu.memory_space<vmem>>, vector<10000xf32>
    %add3A_62 = arith.addf %add3A_59, %get3A_61 : vector<10000xf32>
    %get3A_63 = arith.constant 222464 : index
    %get3A_64 = vector.load %arg1[%get3A_63] : memref<323584xf32, #tpu.memory_space<vmem>>, vector<10000xf32>
    %add3A_65 = arith.addf %add3A_62, %get3A_64 : vector<10000xf32>
    %get3A_66 = arith.constant 232576 : index
    %get3A_67 = vector.load %arg1[%get3A_66] : memref<323584xf32, #tpu.memory_space<vmem>>, vector<10000xf32>
    %add3A_68 = arith.addf %add3A_65, %get3A_67 : vector<10000xf32>
    %get3A_69 = arith.constant 242688 : index
    %get3A_70 = vector.load %arg1[%get3A_69] : memref<323584xf32, #tpu.memory_space<vmem>>, vector<10000xf32>
    %add3A_71 = arith.addf %add3A_68, %get3A_70 : vector<10000xf32>
    %get3A_72 = arith.constant 252800 : index
    %get3A_73 = vector.load %arg1[%get3A_72] : memref<323584xf32, #tpu.memory_space<vmem>>, vector<10000xf32>
    %add3A_74 = arith.addf %add3A_71, %get3A_73 : vector<10000xf32>
    %get3A_75 = arith.constant 262912 : index
    %get3A_76 = vector.load %arg1[%get3A_75] : memref<323584xf32, #tpu.memory_space<vmem>>, vector<10000xf32>
    %add3A_77 = arith.addf %add3A_74, %get3A_76 : vector<10000xf32>
    %get3A_78 = arith.constant 273024 : index
    %get3A_79 = vector.load %arg1[%get3A_78] : memref<323584xf32, #tpu.memory_space<vmem>>, vector<10000xf32>
    %add3A_80 = arith.addf %add3A_77, %get3A_79 : vector<10000xf32>
    %get3A_81 = arith.constant 283136 : index
    %get3A_82 = vector.load %arg1[%get3A_81] : memref<323584xf32, #tpu.memory_space<vmem>>, vector<10000xf32>
    %add3A_83 = arith.addf %add3A_80, %get3A_82 : vector<10000xf32>
    %get3A_84 = arith.constant 293248 : index
    %get3A_85 = vector.load %arg1[%get3A_84] : memref<323584xf32, #tpu.memory_space<vmem>>, vector<10000xf32>
    %add3A_86 = arith.addf %add3A_83, %get3A_85 : vector<10000xf32>
    %get3A_87 = arith.constant 303360 : index
    %get3A_88 = vector.load %arg1[%get3A_87] : memref<323584xf32, #tpu.memory_space<vmem>>, vector<10000xf32>
    %add3A_89 = arith.addf %add3A_86, %get3A_88 : vector<10000xf32>
    %get3A_90 = arith.constant 313472 : index
    %get3A_91 = vector.load %arg1[%get3A_90] : memref<323584xf32, #tpu.memory_space<vmem>>, vector<10000xf32>
    %add3A_92 = arith.addf %add3A_89, %get3A_91 : vector<10000xf32>
    %add3A_93 = arith.constant 1.000000e+00 : f32
    %add3A_94 = vector.broadcast %add3A_93 : f32 to vector<10000xf32>
    %add3A_95 = arith.addf %add3A_92, %add3A_94 : vector<10000xf32>
    %rsqrt3A = math.rsqrt %add3A_95 : vector<10000xf32>
    %swap3A = arith.constant 0 : index
    %swap3A_96 = vector.load %arg3[%swap3A] : memref<10000xf32, #tpu.memory_space<vmem>>, vector<10000xf32>
    tpu.vector_store %arg3[%swap3A], %rsqrt3A {strides = array<i32>} : memref<10000xf32, #tpu.memory_space<vmem>>, vector<10000xf32>,
    %get3A_97 = arith.constant 0 : index
    %get3A_98 = vector.load %arg0[%get3A_97] : memref<10000xf32, #tpu.memory_space<vmem>>, vector<10000xf32>
    %mul3A = arith.mulf %rsqrt3A, %get3A_98 : vector<10000xf32>
    %swap3A_99 = arith.constant 0 : index
    %swap3A_100 = vector.load %arg2[%swap3A_99] : memref<10000xf32, #tpu.memory_space<vmem>>, vector<10000xf32>
    tpu.vector_store %arg2[%swap3A_99], %mul3A {strides = array<i32>} : memref<10000xf32, #tpu.memory_space<vmem>>, vector<10000xf32>,
    return
  }
}

module attributes {stable_mosaic.version = 14 : i64} {
  func.func @body(%arg0: memref<10000x128xf32, #tpu.memory_space<vmem>>, %arg1: memref<128x128xf32, #tpu.memory_space<vmem>>, %arg2: memref<128x128xf32, #tpu.memory_space<vmem>>, %arg3: memref<1x128xf32, #tpu.memory_space<vmem>>, %arg4: memref<10000xf32, #tpu.memory_space<vmem>>) attributes {dimension_semantics = [], scalar_prefetch = 0 : i64, scratch_operands = 0 : i64, tpu.core_type = #tpu.core_type<tc>} {
    %get3A = arith.constant 0 : index
    %get3A_0 = arith.constant 0 : index
    %get3A_1 = vector.load %arg3[%get3A, %get3A_0] : memref<1x128xf32, #tpu.memory_space<vmem>>, vector<1x128xf32>
    %get3A_2 = arith.constant 0 : index
    %get3A_3 = arith.constant 0 : index
    %get3A_4 = vector.load %arg2[%get3A_2, %get3A_3] : memref<128x128xf32, #tpu.memory_space<vmem>>, vector<128x128xf32>
    %dot_general3A = arith.constant dense<0.000000e+00> : vector<1x128xf32>
    %dot_general3A_5 = tpu.matmul %get3A_1, %get3A_4, %dot_general3A {dimension_numbers = #tpu.dot_dimension_numbers<[1], [1], [0], [0], [0, 0, 1, 0], [], []>, transpose_lhs_hint = false} : vector<1x128xf32>, vector<128x128xf32>, vector<1x128xf32> -> vector<1x128xf32>
    %get3A_6 = arith.constant 0 : index
    %get3A_7 = arith.constant 0 : index
    %get3A_8 = vector.load %arg1[%get3A_6, %get3A_7] : memref<128x128xf32, #tpu.memory_space<vmem>>, vector<128x128xf32>
    %dot_general3A_9 = arith.constant dense<0.000000e+00> : vector<1x128xf32>
    %dot_general3A_10 = tpu.matmul %dot_general3A_5, %get3A_8, %dot_general3A_9 {dimension_numbers = #tpu.dot_dimension_numbers<[1], [1], [0], [0], [0, 0, 1, 0], [], []>, transpose_lhs_hint = false} : vector<1x128xf32>, vector<128x128xf32>, vector<1x128xf32> -> vector<1x128xf32>
    %get3A_11 = arith.constant 0 : index
    %get3A_12 = arith.constant 0 : index
    %get3A_13 = vector.load %arg0[%get3A_11, %get3A_12] : memref<10000x128xf32, #tpu.memory_space<vmem>>, vector<10000x128xf32>
    %mul3A = vector.broadcast %dot_general3A_10 : vector<1x128xf32> to vector<10000x128xf32>
    %mul3A_14 = arith.mulf %get3A_13, %mul3A : vector<10000x128xf32>
    %reduce_sum3A = arith.constant dense<0.000000e+00> : vector<10000xf32>
    %reduce_sum3A_15 = vector.multi_reduction <add>, %mul3A_14, %reduce_sum3A [1] : vector<10000x128xf32> to vector<10000xf32>
    %swap3A = arith.constant 0 : index
    %swap3A_16 = vector.load %arg4[%swap3A] : memref<10000xf32, #tpu.memory_space<vmem>>, vector<10000xf32>
    tpu.vector_store %arg4[%swap3A], %reduce_sum3A_15 {strides = array<i32>} : memref<10000xf32, #tpu.memory_space<vmem>>, vector<10000xf32>,
    return
  }
}

</mosaic_0001>

<sc_bundles>
// kernel: kernel.12.cloned.1.call-start
scs
__scs_entry_jumppad:
0x0: {  	(pc) =	sbr.rel $0x88, $3  }
0x1: {  	(tag) =	ssettag $0x0;
	lr =	simm.s32 $0x1  }
0x2: {  	[smem:$0x3F99] =	sst lr;
	_ =	strace $0xD0000000  }
0x3: {  	_ = 	snop  }
0x4: {  	_ = 	snop  }
0x5: {  	_ = 	snop  }
0x6: {  	_ = 	snop  }
0x7: {  	_ = 	snop  }
__scs_overlays_trampoline_lowered:
0x8: {  	[smem:$0x3FA8] =	sst s0  }
0x9: {  	[smem:$0x3FA9] =	sst s1  }
0xa: {  	[smem:$0x3FAA] =	sst s2  }
0xb: {  	[smem:$0x3FAB] =	sst s3  }
0xc: {  	[smem:$0x3FAC] =	sst s4  }
0xd: {  	[smem:$0x3FAD] =	sst s5  }
0xe: {  	[smem:$0x3FAE] =	sst s6  }
0xf: {  	[smem:$0x3FAF] =	sst s7  }
0x10: {  	[smem:$0x3FB0] =	sst s8  }
0x11: {  	[smem:$0x3FB1] =	sst s9;
	s0 =	simm.s32 @!p0 $0x0  }
0x12: {  	s1 =	sld [smem:$0x3F97];
	s0 =	simm.s32 @p0 $0x1  }
0x13: {  	[smem:$0x3FB2] =	sst s0;
	s0 =	simm.s32 @!p1 $0x0  }
0x14: {  	s2 =	sld [smem:$0x3F96];
	s0 =	simm.s32 @p1 $0x1  }
0x15: {  	[smem:$0x3FB3] =	sst s0;
	s0 =	simm.s32 @!p2 $0x0  }
0x16: {  	s3 =	sld [smem:$0x3FDB];
	s0 =	simm.s32 @p2 $0x1  }
0x17: {  	s4 =	simm.s32 $0x1BF5;
	[smem:$0x3FB5] =	sst s0  }
0x18: {  	s0 =	sld [smem:$0x3F98];
	_ =	swait.ge [sflag:s4], $0x0  }
0x19: {  	s7 =	sld [smem:$0x3F99]  }
0x1a: {  	s8 =	sadd.s32 $0xFFFFE003, lr  }
0x1b: {  	s9 =	sadd.s32 $0xFFFFFEF7, lr;
	s5 =	simm.s32 $0xFFFFFFFF;
	p2 =	slt.u32 s8, $0xFFFFF086  }
0x1c: {  	p1 =	slt.u32 s9, $0xF7A;
	s5 =	simm.s32 @!p2 $0x0  }
0x1d: {  	s5 =	simm.s32 @p1 $0x1;
	p0 =	seq.s32 s7, s2  }
0x1e: {  	s7 =	smul.u32 @!p0 $0xF7A, s2;
	p2 =	seq.s32 @!p0 s5, $0x0  }
0x1f: {  	s9 =	smul.u32 $0xF7A, s1;
	s8 =	simm.s32 @!p0 $0x1BF5;
	p2 =	por !p2, p0  }
0x20: {  	[sflag:s8] =	ssyncset.s32 @!p0 $0xFFFFF086;
	s6 =	sadd.s32 @!p0 s3, s7;
	s7 =	simm.s32 @!p0 $0x108  }
0x21: {  	s3 =	sadd.s32 s3, s9;
	s6 =	sadd.s32 @!p0 $0x88, s6;
	s7 =	simm.s32 @p2 $0x1082  }
0x22: {  	[simem:s7], [sflag:s8] =	dma.local @!p0 [hbm:s6], $0xF7A  }
0x23: {  	s9 =	sor.u32 $0xD0000000, s2;
	s6 =	simm.s32 $0x108;
	_ =	swait.ge @!p0 [sflag:s8], $0x0  }
0x24: {  	s3 =	sadd.s32 $0x88, s3;
	s6 =	simm.s32 @!p1 $0x1082;
	[sflag:s4] =	ssyncset.s32 $0xFFFFF086  }
0x25: {  	[simem:s6], [sflag:s4] =	dma.local [hbm:s3], $0xF7A  }
0x26: {  	[smem:$0x3F99] =	sst s1;
	(tag) =	ssettag s2;
	_ =	strace s9  }
0x27: {  	s1 =	sld [smem:$0x3FA9]  }
0x28: {  	s2 =	sld [smem:$0x3FAA]  }
0x29: {  	s4 =	sld [smem:$0x3FAC]  }
0x2a: {  	p0 =	seq.s32 s5, $0x0;
	s5 =	sld [smem:$0x3FAD]  }
0x2b: {  	s6 =	sld [smem:$0x3FAE]  }
0x2c: {  	s7 =	sld [smem:$0x3FAF]  }
0x2d: {  	s3 =	simm.s32 $0x108;
	s8 =	sld [smem:$0x3FB0]  }
0x2e: {  	s3 =	simm.s32 @!p0 $0x1082;
	s9 =	sld [smem:$0x3FB1]  }
0x2f: {  	lr =	sadd.s32 s0, s3;
	s0 =	sld [smem:$0x3FA8]  }
0x30: {  	s3 =	sld [smem:$0x3FAB]  }
0x31: {  	[smem:$0x3FB4] =	sst s10  }
0x32: {  	s10 =	sld [smem:$0x3FB2];
	_ =	sdelay $0x3  }
0x33: {  	p0 =	seq.s32 s10, $0x1;
	s10 =	sld [smem:$0x3FB4];
	_ =	sdelay $0x3  }
0x34: {  	[smem:$0x3FB4] =	sst s10  }
0x35: {  	s10 =	sld [smem:$0x3FB3];
	_ =	sdelay $0x3  }
0x36: {  	p1 =	seq.s32 s10, $0x1;
	s10 =	sld [smem:$0x3FB4];
	_ =	sdelay $0x3  }
0x37: {  	[smem:$0x3FB4] =	sst s10  }
0x38: {  	s10 =	sld [smem:$0x3FB5]  }
0x39: {  	_ = 	snop;
	(pc) =	sbr.ind lr, $3  }
0x3a: {  	_ = 	snop  }
0x3b: {  	_ = 	snop  }
0x3c: {  	p2 =	seq.s32 s10, $0x1;
	s10 =	sld [smem:$0x3FB4]  }
0x3d: {  	_ =	shalt  }
0x3e: {  	_ =	shalt  }
0x3f: {  	_ =	shalt  }
0x40: {  	_ =	shalt  }
0x41: {  	_ =	shalt  }
0x42: {  	_ =	shalt  }
0x43: {  	_ =	shalt  }
0x44: {  	_ =	shalt  }
0x45: {  	_ =	shalt  }
0x46: {  	_ =	shalt  }
0x47: {  	_ =	shalt  }
0x48: {  	_ =	shalt  }
0x49: {  	_ =	shalt  }
0x4a: {  	_ =	shalt  }
0x4b: {  	_ =	shalt  }
0x4c: {  	_ =	shalt  }
0x4d: {  	_ =	shalt  }
0x4e: {  	_ =	shalt  }
0x4f: {  	_ =	shalt  }
0x50: {  	_ =	shalt  }
0x51: {  	_ =	shalt  }
0x52: {  	_ =	shalt  }
0x53: {  	_ =	shalt  }
0x54: {  	_ =	shalt  }
0x55: {  	_ =	shalt  }
0x56: {  	_ =	shalt  }
0x57: {  	_ =	shalt  }
0x58: {  	_ =	shalt  }
0x59: {  	_ =	shalt  }
0x5a: {  	_ =	shalt  }
0x5b: {  	_ =	shalt  }
0x5c: {  	_ =	shalt  }
0x5d: {  	_ =	shalt  }
0x5e: {  	_ =	shalt  }
0x5f: {  	_ =	shalt  }
0x60: {  	_ =	shalt  }
0x61: {  	_ =	shalt  }
0x62: {  	_ =	shalt  }
0x63: {  	_ =	shalt  }
0x64: {  	_ =	shalt  }
0x65: {  	_ =	shalt  }
0x66: {  	_ =	shalt  }
0x67: {  	_ =	shalt  }
0x68: {  	_ =	shalt  }
0x69: {  	_ =	shalt  }
0x6a: {  	_ =	shalt  }
0x6b: {  	_ =	shalt  }
0x6c: {  	_ =	shalt  }
0x6d: {  	_ =	shalt  }
0x6e: {  	_ =	shalt  }
0x6f: {  	_ =	shalt  }
0x70: {  	_ =	shalt  }
0x71: {  	_ =	shalt  }
0x72: {  	_ =	shalt  }
0x73: {  	_ =	shalt  }
0x74: {  	_ =	shalt  }
0x75: {  	_ =	shalt  }
0x76: {  	_ =	shalt  }
0x77: {  	_ =	shalt  }
0x78: {  	_ =	shalt  }
0x79: {  	_ =	shalt  }
0x7a: {  	_ =	shalt  }
0x7b: {  	_ =	shalt  }
0x7c: {  	_ =	shalt  }
0x7d: {  	_ =	shalt  }
0x7e: {  	_ =	shalt  }
0x7f: {  	_ =	shalt  }
0x80: {  	_ =	shalt  }
0x81: {  	_ =	shalt  }
0x82: {  	_ =	shalt  }
0x83: {  	_ =	shalt  }
0x84: {  	_ =	shalt  }
0x85: {  	_ =	shalt  }
0x86: {  	_ =	shalt  }
0x87: {  	_ =	shalt  }
.Lfunc_end0:
.L_simem_size_0:
called_computation.1_lowered:
.L_overlay_start_0:
0x88: {  	s2 =	sld [smem:$0x3FD9]  }
0x89: {  	s3 =	sld [smem:$0x3FFE];
	_ =	sdelay $0x1  }
0x8a: {  	s1 =	srdreg.scid  }
0x8b: {  	s0 =	sand.u32 $0x1, s1  }
0x8c: {  	s17 =	sshll.u32 s0, $0xA;
	s2 =	sadd.s32 s3, s2  }
0x8d: {  	s2 =	sadd.s32 s2, s17  }
0x8e: {  	[smem:$0x3FC0] =	sst s2  }
0x8f: {  	_ = 	snop  }
0x90: {  	s2 =	sld [smem:$0x3FC8];
	(tm) =	ssettm $0x1  }
0x91: {  	s18 =	sld [smem:$0x3FFB];
	_ =	sdelay $0x3  }
0x92: {  	_ =	strace s18  }
0x93: {  	s3 =	sld [smem:$0x3FFC];
	_ =	sdelay $0x3  }
0x94: {  	_ =	strace s3  }
0x95: {  	s3 =	sld [smem:$0x3FFD];
	_ =	sdelay $0x3  }
0x96: {  	_ =	strace s3  }
0x97: {  	_ =	strace $0x8FFFFFFF  }
0x98: {  	s19 =	sld [smem:$0x3FDB];
	_ =	sdelay $0x1  }
0x99: {  	s4 =	simm.s32 $_scs_section_size  }
0x9a: {  	s5 =	simm.s32 $_size__tile_overlayer_lowered;
	s6 =	simm.s32 $_tile_overlayer_lowered  }
0x9b: {  	s22 =	simm.s32 $0x1BFF;
	s21 =	sshll.u32 s6, $0x1;
	s3 =	sadd.s32 s4, s19  }
0x9c: {  	s7 =	simm.s32 $0x0;
	s20 =	sshll.u32 s5, $0x1;
	s5 =	sadd.s32 s21, s3  }
0x9d: {  	[timem:s7], [sflag:s22] =	dma.local [hbm:s5], s20  }
0x9e: {  	_ =	swait.ge [sflag:s22], s20  }
0x9f: {  	s4 =	ssub.s32 $0x0, s20;
	[sflag:s22] =	ssyncset.done $0x0  }
0xa0: {  	[sflag:s22] =	ssyncadd.s32 s4;
	_ =	sdelay $0x1  }
0xa1: {  	s23 =	simm.s32 $0x1B8B  }
0xa2: {  	_ =	swait.ge [sflag:s23], $0x1  }
0xa3: {  	[sflag:s23] =	ssyncset.done $0x0  }
0xa4: {  	s25 =	simm.s32 $0x1B8E;
	s24 =	sld [smem:$0x3FFE];
	[sflag:s23] =	ssyncadd.s32 $0xFFFFFFFF  }
0xa5: {  	s26 =	simm.s32 $execute0_lowered;
	[smem:$0x3FD2] =	sst s25  }
0xa6: {  	s5 =	sshll.u32 s26, $0x1;
	_ =	strace $0x80000049;
	[dreg:$0x1] =	wrdreg $0xFFFFFFFF  }
0xa7: {  	s28 =	simm.s32 $_size_execute0_lowered;
	s3 =	sadd.s32 s3, s5;
	[dreg:$0x0] =	wrdreg $0x0  }
0xa8: {  	s5 =	sshll.u32 s28, $0x1;
	[dreg:$0x2] =	wrdreg s3  }
0xa9: {  	[dreg:$0x3] =	wrdreg s5  }
0xaa: {  	[dreg:$0x4] =	wrdreg $0xC0  }
0xab: {  	_ =	task [dreg:s7], $0x5FFFF  }
0xac: {  	[dreg:$0x1] =	wrdreg $0xFFFFFFFF  }
0xad: {  	[dreg:$0x0] =	wrdreg $0x60  }
0xae: {  	[dreg:$0x2] =	wrdreg s2  }
0xaf: {  	[dreg:$0x3] =	wrdreg s24  }
0xb0: {  	[dreg:$0x4] =	wrdreg $0x9  }
0xb1: {  	_ =	task.clear_ibuf [dreg:s7], $0x5FFFF;
	_ =	strace $0x90000049  }
0xb2: {  	s29 =	simm.s32 $0x9;
	_ =	strace $0x8000004B  }
0xb3: {  	_ =	swait.ge [sflag:s29], $0x1  }
0xb4: {  	[sflag:s29] =	ssyncadd.s32 $0xFFFFFFFF  }
0xb5: {  	_ =	strace $0x9000004B  }
0xb6: {  	_ =	sfence  }
0xb7: {  	s30 =	sld [smem:$0x0];
	_ =	sdelay $0x2  }
0xb8: {  	s31 =	sshll.u32 s1, $0xD;
	s1 =	sshrl.u32 s1, $0x2  }
0xb9: {  	s3 =	sand.u32 $0x4000, s31;
	s1 =	sadd.s32 s1, s30  }
0xba: {  	s0 =	sor.u32 s3, s0;
	s1 =	sshll.u32 s1, $0x11  }
0xbb: {  	s0 =	sor.u32 s1, s0  }
0xbc: {  	s0 =	sadd.s32 $0x8F2B, s0  }
0xbd: {  	[sflag:s0] =	ssyncadd.remote.s32 $0x1  }
0xbe: {  	_ =	sfence.sel $0xFFFF  }
0xbf: {  	[dreg:$0x0] =	wrdreg $0xFFFFFFFF;
	(pc) =	sbr.abs _section_cstart, $3  }
0xc0: {  	[dreg:$0x1] =	wrdreg $0xFFFFFFFF  }
0xc1: {  	_ =	task.clear_ibuf [dreg:s7], $0x2FFFF;
	_ =	strace $0x9FFFFFFF  }
0xc2: {  	(tm) =	ssettm $0x7FFFFFFF  }
0xc3: {  	_ =	shalt  }
tec
execute0_lowered:
.L_overlay_start_1:
0x0: {  	(tag) =	ssettag $0x1  }
0x1: {  	s1 =	srdreg.scid  }
0x2: {  	s0 =	stileid.u32;
	s4 =	rddreg [dreg:$0x0]  }
0x3: {  	s5 =	rddreg [dreg:$0x1];
	s2 =	simm.s32 $0x0;
	s26 =	smul.u32 $0x4E20, s0  }
0x4: {  	s14 =	simm.s32 $0x2;
	s6 =	sand.u32 $0x1, s1;
	s30 =	smul.u32 $0x9C40, s0  }
0x5: {  	s15 =	simm.s32 $0x0;
	s23 =	sshll.u32 s0, $0x1;
	s12 =	smul.u32 $0x2710, s6  }
0x6: {  	s1 =	rddreg [dreg:$0x2];
	s3 =	sor.u32 s6, s23;
	s29 =	smul.u32 $0x4E20, s6  }
0x7: {  	[smem:$0x7FF] =	sst s2;
	s9 =	ssub.s32 $0x2, s6;
	s8 =	smul.u32 $0x2710, s3  }
0x8: {  	_ =	strace $0x8000004A;
	s7 =	smul.u32 $0x4F0, s3;
	s24 =	sshrl.u32 s9, $0x1  }
0x9: {  	s3 =	sadd.s32 $0x2E00, s5;
	s9 =	ssub.s32 s9, s24;
	s10 =	sand.u32 $0x7FF80, s8  }
0xa: {  	[dreg:$0x3] =	wrdreg s29;
	s7 =	sadd.s32 s7, s5;
	s25 =	smin.u32 s10, $0x4BA80  }
0xb: {  	s10 =	sadd.s32 s12, s26;
	s7 =	sadd.s32 $0x3400, s7;
	s12 =	simm.s32 $0x1  }
0xc: {  	s11 =	ssub.s32 s8, s25;
	s5 =	sshrl.u32 s25, $0x2;
	s13 =	sshll.u32 s10, $0x1  }
0xd: {  	s10 =	sand.u32 $0x70, s10;
	s4 =	sadd.s32 s4, s5;
	s5 =	sand.u32 $0x70, s8  }
0xe: {  	s28 =	sshll.u32 s11, $0x1;
	s31 =	sand.u32 $0x1FFF00, s13;
	s10 =	sadd.s32 $0xF0, s10  }
0xf: {  	s11 =	simm.s32 $0x7680;
	s13 =	simm.s32 $0x4F00;
	s8 =	sand.u32 $0xFFFFFF00, s28  }
0x10: {  	v0 =	vimm.f32 $0.0e+00;
	s6 =	sor.u32 s5, s8;
	s8 =	smax.u32 s9, $0x1;
	s9 =	ssub.s32 s30, s31  }
.LBB2_1:
0x11: {  	[tilespmem:s2], [sflag:$0x1] =	stream.linear.gather [hbm4b:s4+s2], $0x4F00, $0x38;
	[tilespmem:$0x9E00] =	vst v63  }
0x12: {  	s16 =	simm.s32 $0x4F40  }
0x13: {  	[tilespmem:s11], [sflag:$0x1] =	stream.linear.gather [hbm4b:s3+s2], $0x2780, $0x38;
	[tilespmem:$0x9E00] =	vst v63  }
0x14: {  	[tilespmem:s16+$0xFFFFFFC0] =	vst v0  }
0x15: {  	[tilespmem:s16+$0x30] =	vst v0  }
0x16: {  	[tilespmem:s16+$0x20] =	vst v0  }
0x17: {  	[tilespmem:s16+$0x10] =	vst v0  }
0x18: {  	[tilespmem:s16+$0x0] =	vst v0  }
0x19: {  	[tilespmem:s16+$0xFFFFFFF0] =	vst v0  }
0x1a: {  	s17 =	simm.s32 $0x0;
	[tilespmem:s16+$0xFFFFFFE0] =	vst v0  }
.LBB2_2:
0x1b: {  	s17 =	sadd.s32 $0x8, s17;
	[tilespmem:s16+$0xFFFFFFD0] =	vst v0;
	s16 =	sadd.s32 $0x80, s16  }
0x1c: {  	[tilespmem:s16+$0xFFFFFFC0] =	vst v0;
	p0 =	slt.u32 s17, $0x268  }
0x1d: {  	[tilespmem:s16+$0x30] =	vst v0  }
.Ltmp0:
0x1e: {  	[tilespmem:s16+$0x20] =	vst v0;
	(pc) =	sbr.rel @p0 .LBB2_2-.Ltmp0, $4  }
0x1f: {  	[tilespmem:s16+$0x10] =	vst v0  }
0x20: {  	[tilespmem:s16+$0x0] =	vst v0  }
0x21: {  	[tilespmem:s16+$0xFFFFFFF0] =	vst v0  }
0x22: {  	[tilespmem:s16+$0xFFFFFFE0] =	vst v0  }
0x23: {  	[tilespmem:s16+$0xFFFFFFD0] =	vst v0  }
0x24: {  	[tilespmem:$0x7600] =	vst v0  }
0x25: {  	_ =	swait.ge [sflag:s12], $0x4F00  }
0x26: {  	[sflag:s12] =	ssyncset.done $0x0  }
0x27: {  	[sflag:s12] =	ssyncadd.s32 $0xFFFFB100  }
0x28: {  	_ =	swait.ge [sflag:s12], $0x2780  }
0x29: {  	s16 =	simm.s32 $0xFFFFFFF0;
	[sflag:s12] =	ssyncset.done $0x0  }
0x2a: {  	s17 =	smov.u32 s10;
	s18 =	smov.u32 s9;
	[sflag:s12] =	ssyncadd.s32 $0xFFFFD880  }
.LBB2_4:
0x2b: {  	s19 =	rddreg [dreg:$0x3]  }
0x2c: {  	s19 =	sadd.s32 s18, s19  }
0x2d: {  	s20 =	sand.u32 $0xFFFFFF00, s19  }
0x2e: {  	s20 =	sor.u32 s20, s5  }
0x2f: {  	v1 =	vld [tilespmem:s20+$0x0];
	_ =	sdelay $0x4  }
0x30: {  	v2 =	vld [tilespmem:s20+$0x80];
	_ =	sdelay $0x2  }
0x31: {  	v1 =	vld.idx.msk [tilespmem:v1+s11+$0x0], $0xffff;
	_ =	sdelay $0x2  }
0x32: {  	s22 =	sadd.s32 $0xFFFFFF20, s17;
	s21 =	sadd.s32 $0x20, s19  }
0x33: {  	s21 =	sand.u32 $0xFFFFFF00, s21;
	s20 =	sand.u32 $0x70, s22  }
0x34: {  	s20 =	sor.u32 s20, s21;
	[tilespmem:v2+s13+$0x0] =	vst.idx.add.f32.msk $0xffff, v1  }
0x35: {  	v1 =	vld [tilespmem:s20+$0x0];
	_ =	sdelay $0x4  }
0x36: {  	v2 =	vld [tilespmem:s20+$0x80];
	_ =	sdelay $0x2  }
0x37: {  	v1 =	vld.idx.msk [tilespmem:v1+s11+$0x0], $0xffff;
	_ =	sdelay $0x2  }
0x38: {  	s23 =	sadd.s32 $0xFFFFFF30, s17;
	s24 =	sadd.s32 $0x40, s19  }
0x39: {  	s21 =	sand.u32 $0xFFFFFF00, s24;
	s20 =	sand.u32 $0x70, s23  }
0x3a: {  	s20 =	sor.u32 s20, s21;
	[tilespmem:v2+s13+$0x0] =	vst.idx.add.f32.msk $0xffff, v1  }
0x3b: {  	v1 =	vld [tilespmem:s20+$0x0];
	_ =	sdelay $0x4  }
0x3c: {  	v2 =	vld [tilespmem:s20+$0x80];
	_ =	sdelay $0x2  }
0x3d: {  	v1 =	vld.idx.msk [tilespmem:v1+s11+$0x0], $0xffff;
	_ =	sdelay $0x2  }
0x3e: {  	s25 =	sadd.s32 $0xFFFFFF40, s17;
	s26 =	sadd.s32 $0x60, s19  }
0x3f: {  	s21 =	sand.u32 $0xFFFFFF00, s26;
	s20 =	sand.u32 $0x70, s25  }
0x40: {  	s20 =	sor.u32 s20, s21;
	[tilespmem:v2+s13+$0x0] =	vst.idx.add.f32.msk $0xffff, v1  }
0x41: {  	v1 =	vld [tilespmem:s20+$0x0];
	_ =	sdelay $0x4  }
0x42: {  	v2 =	vld [tilespmem:s20+$0x80];
	_ =	sdelay $0x2  }
0x43: {  	v1 =	vld.idx.msk [tilespmem:v1+s11+$0x0], $0xffff;
	_ =	sdelay $0x2  }
0x44: {  	s28 =	sadd.s32 $0xFFFFFF50, s17;
	s29 =	sadd.s32 $0x80, s19  }
0x45: {  	s21 =	sand.u32 $0xFFFFFF00, s29;
	s20 =	sand.u32 $0x70, s28  }
0x46: {  	s20 =	sor.u32 s20, s21;
	[tilespmem:v2+s13+$0x0] =	vst.idx.add.f32.msk $0xffff, v1  }
0x47: {  	v1 =	vld [tilespmem:s20+$0x0];
	_ =	sdelay $0x4  }
0x48: {  	v2 =	vld [tilespmem:s20+$0x80];
	_ =	sdelay $0x2  }
0x49: {  	v1 =	vld.idx.msk [tilespmem:v1+s11+$0x0], $0xffff;
	_ =	sdelay $0x2  }
0x4a: {  	s30 =	sadd.s32 $0xFFFFFF60, s17;
	s31 =	sadd.s32 $0xA0, s19  }
0x4b: {  	s21 =	sand.u32 $0xFFFFFF00, s31;
	s20 =	sand.u32 $0x70, s30  }
0x4c: {  	s20 =	sor.u32 s20, s21;
	[tilespmem:v2+s13+$0x0] =	vst.idx.add.f32.msk $0xffff, v1  }
0x4d: {  	v1 =	vld [tilespmem:s20+$0x0];
	_ =	sdelay $0x4  }
0x4e: {  	v2 =	vld [tilespmem:s20+$0x80];
	_ =	sdelay $0x2  }
0x4f: {  	v1 =	vld.idx.msk [tilespmem:v1+s11+$0x0], $0xffff;
	_ =	sdelay $0x2  }
0x50: {  	s22 =	sadd.s32 $0xFFFFFF70, s17;
	s23 =	sadd.s32 $0xC0, s19  }
0x51: {  	s21 =	sand.u32 $0xFFFFFF00, s23;
	s20 =	sand.u32 $0x70, s22  }
0x52: {  	s20 =	sor.u32 s20, s21;
	[tilespmem:v2+s13+$0x0] =	vst.idx.add.f32.msk $0xffff, v1  }
0x53: {  	v1 =	vld [tilespmem:s20+$0x0];
	_ =	sdelay $0x4  }
0x54: {  	v2 =	vld [tilespmem:s20+$0x80];
	_ =	sdelay $0x2  }
0x55: {  	v1 =	vld.idx.msk [tilespmem:v1+s11+$0x0], $0xffff;
	_ =	sdelay $0x2  }
0x56: {  	s24 =	sadd.s32 $0xFFFFFF80, s17;
	s25 =	sadd.s32 $0xE0, s19  }
0x57: {  	s21 =	sand.u32 $0xFFFFFF00, s25;
	s20 =	sand.u32 $0x70, s24  }
0x58: {  	s20 =	sor.u32 s20, s21;
	[tilespmem:v2+s13+$0x0] =	vst.idx.add.f32.msk $0xffff, v1  }
0x59: {  	v1 =	vld [tilespmem:s20+$0x0];
	_ =	sdelay $0x4  }
0x5a: {  	v2 =	vld [tilespmem:s20+$0x80];
	_ =	sdelay $0x2  }
0x5b: {  	v1 =	vld.idx.msk [tilespmem:v1+s11+$0x0], $0xffff;
	_ =	sdelay $0x2  }
0x5c: {  	s26 =	sadd.s32 $0x100, s19  }
0x5d: {  	s20 =	sand.u32 $0xFFFFFF00, s26  }
0x5e: {  	s20 =	sor.u32 s20, s5;
	[tilespmem:v2+s13+$0x0] =	vst.idx.add.f32.msk $0xffff, v1  }
0x5f: {  	v1 =	vld [tilespmem:s20+$0x0];
	_ =	sdelay $0x4  }
0x60: {  	v2 =	vld [tilespmem:s20+$0x80];
	_ =	sdelay $0x2  }
0x61: {  	v1 =	vld.idx.msk [tilespmem:v1+s11+$0x0], $0xffff;
	_ =	sdelay $0x2  }
0x62: {  	s29 =	sadd.s32 $0x120, s19;
	s28 =	sadd.s32 $0xFFFFFFA0, s17  }
0x63: {  	s21 =	sand.u32 $0xFFFFFF00, s29;
	s20 =	sand.u32 $0x70, s28  }
0x64: {  	s20 =	sor.u32 s20, s21;
	[tilespmem:v2+s13+$0x0] =	vst.idx.add.f32.msk $0xffff, v1  }
0x65: {  	v1 =	vld [tilespmem:s20+$0x0];
	_ =	sdelay $0x4  }
0x66: {  	v2 =	vld [tilespmem:s20+$0x80];
	_ =	sdelay $0x2  }
0x67: {  	v1 =	vld.idx.msk [tilespmem:v1+s11+$0x0], $0xffff;
	_ =	sdelay $0x2  }
0x68: {  	s31 =	sadd.s32 $0x140, s19;
	s30 =	sadd.s32 $0xFFFFFFB0, s17  }
0x69: {  	s21 =	sand.u32 $0xFFFFFF00, s31;
	s20 =	sand.u32 $0x70, s30  }
0x6a: {  	s20 =	sor.u32 s20, s21;
	[tilespmem:v2+s13+$0x0] =	vst.idx.add.f32.msk $0xffff, v1  }
0x6b: {  	v1 =	vld [tilespmem:s20+$0x0];
	_ =	sdelay $0x4  }
0x6c: {  	v2 =	vld [tilespmem:s20+$0x80];
	_ =	sdelay $0x2  }
0x6d: {  	v1 =	vld.idx.msk [tilespmem:v1+s11+$0x0], $0xffff;
	_ =	sdelay $0x2  }
0x6e: {  	s23 =	sadd.s32 $0x160, s19;
	s22 =	sadd.s32 $0xFFFFFFC0, s17  }
0x6f: {  	s21 =	sand.u32 $0xFFFFFF00, s23;
	s20 =	sand.u32 $0x70, s22  }
0x70: {  	s20 =	sor.u32 s20, s21;
	[tilespmem:v2+s13+$0x0] =	vst.idx.add.f32.msk $0xffff, v1  }
0x71: {  	v1 =	vld [tilespmem:s20+$0x0];
	_ =	sdelay $0x4  }
0x72: {  	v2 =	vld [tilespmem:s20+$0x80];
	_ =	sdelay $0x2  }
0x73: {  	v1 =	vld.idx.msk [tilespmem:v1+s11+$0x0], $0xffff;
	_ =	sdelay $0x2  }
0x74: {  	s25 =	sadd.s32 $0x180, s19;
	s24 =	sadd.s32 $0xFFFFFFD0, s17  }
0x75: {  	s21 =	sand.u32 $0xFFFFFF00, s25;
	s20 =	sand.u32 $0x70, s24  }
0x76: {  	s20 =	sor.u32 s20, s21;
	[tilespmem:v2+s13+$0x0] =	vst.idx.add.f32.msk $0xffff, v1  }
0x77: {  	v1 =	vld [tilespmem:s20+$0x0];
	_ =	sdelay $0x4  }
0x78: {  	v2 =	vld [tilespmem:s20+$0x80];
	_ =	sdelay $0x2  }
0x79: {  	v1 =	vld.idx.msk [tilespmem:v1+s11+$0x0], $0xffff;
	_ =	sdelay $0x2  }
0x7a: {  	s26 =	sadd.s32 $0xFFFFFFE0, s17;
	s28 =	sadd.s32 $0x1A0, s19  }
0x7b: {  	s21 =	sand.u32 $0xFFFFFF00, s28;
	s20 =	sand.u32 $0x70, s26  }
0x7c: {  	s20 =	sor.u32 s20, s21;
	[tilespmem:v2+s13+$0x0] =	vst.idx.add.f32.msk $0xffff, v1  }
0x7d: {  	v1 =	vld [tilespmem:s20+$0x0];
	_ =	sdelay $0x4  }
0x7e: {  	v2 =	vld [tilespmem:s20+$0x80];
	_ =	sdelay $0x2  }
0x7f: {  	v1 =	vld.idx.msk [tilespmem:v1+s11+$0x0], $0xffff;
	_ =	sdelay $0x2  }
0x80: {  	s29 =	sadd.s32 $0xFFFFFFF0, s17;
	s30 =	sadd.s32 $0x1C0, s19  }
0x81: {  	s21 =	sand.u32 $0xFFFFFF00, s30;
	s20 =	sand.u32 $0x70, s29  }
0x82: {  	s20 =	sor.u32 s20, s21;
	[tilespmem:v2+s13+$0x0] =	vst.idx.add.f32.msk $0xffff, v1  }
0x83: {  	v1 =	vld [tilespmem:s20+$0x0];
	_ =	sdelay $0x4  }
0x84: {  	v2 =	vld [tilespmem:s20+$0x80];
	_ =	sdelay $0x2  }
0x85: {  	v1 =	vld.idx.msk [tilespmem:v1+s11+$0x0], $0xffff;
	_ =	sdelay $0x2  }
0x86: {  	s19 =	sadd.s32 $0x1E0, s19  }
0x87: {  	s31 =	sand.u32 $0x70, s17;
	s19 =	sand.u32 $0xFFFFFF00, s19  }
0x88: {  	s19 =	sor.u32 s31, s19;
	[tilespmem:v2+s13+$0x0] =	vst.idx.add.f32.msk $0xffff, v1  }
0x89: {  	v1 =	vld [tilespmem:s19+$0x0];
	_ =	sdelay $0x4  }
0x8a: {  	v2 =	vld [tilespmem:s19+$0x80];
	_ =	sdelay $0x1  }
0x8b: {  	s16 =	sadd.s32 $0x10, s16  }
0x8c: {  	p0 =	slt.u32 s16, $0x260;
	v1 =	vld.idx.msk [tilespmem:v1+s11+$0x0], $0xffff  }
.Ltmp1:
0x8d: {  	_ = 	snop;
	(pc) =	sbr.rel @p0 .LBB2_4-.Ltmp1, $2  }
0x8e: {  	_ =	sdelay $0x2  }
0x8f: {  	s18 =	sadd.s32 $0x200, s18;
	s17 =	sadd.s32 $0x100, s17;
	[tilespmem:v2+s13+$0x0] =	vst.idx.add.f32.msk $0xffff, v1  }
0x90: {  	v1 =	vld [tilespmem:s6+$0x4E00];
	_ =	sdelay $0x4  }
0x91: {  	v2 =	vld [tilespmem:s6+$0x4E80];
	_ =	sdelay $0x2  }
0x92: {  	v1 =	vld.idx.msk [tilespmem:v1+s11+$0x0], $0xffff;
	_ =	sdelay $0x2  }
0x93: {  	s15 =	sadd.s32 $0x1, s15  }
0x94: {  	p0 =	sne.s32 s15, s8  }
.Ltmp2:
0x95: {  	[tilespmem:v2+s13+$0x0] =	vst.idx.add.f32.msk $0xffff, v1;
	(pc) =	sbr.rel @p0 .LBB2_1-.Ltmp2, $4  }
0x96: {  	[hbm4b:s7+s2] =	stream.linear.scatter [tilespmem:s13], [sflag:$0x2], $0x2710, $0x38;
	[tilespmem:$0x9E00] =	vst v63  }
0x97: {  	_ =	swait.ge [sflag:s14], $0x2710  }
0x98: {  	[sflag:s14] =	ssyncset.done $0x0  }
0x99: {  	[sflag:s14] =	ssyncadd.s32 $0xFFFFD8F0  }
0x9a: {  	_ =	sfence.sel $0x180000  }
0x9b: {  	[bflag:$0x0] =	sbarrier.arrive $0xFFFF  }
0x9c: {  	p0 =	sne.s32 s0, $0x0;
	_ =	strace $0x9000004A  }
0x9d: {  	s0 =	sadd.s32 @!p0 $0x100000, s1;
	[bflag:$0x2] =	sbarrier.arrive $0xFFFF  }
0x9e: {  	[sflag:s0] =	ssyncadd.tile.s32 @!p0 $0x1;
	_ =	shalt  }
.Lfunc_end2:
_tile_overlayer_lowered:
.L_overlay_start_2:
0x9f: {  	(tag) =	ssettag $0x2  }
0xa0: {  	s0 =	rddreg [dreg:$0x0];
	s2 =	stileid.u32  }
0xa1: {  	s1 =	rddreg [dreg:$0x1];
	p0 =	sne.s32 s2, $0x0  }
0xa2: {  	s3 =	rddreg [dreg:$0x2];
	[bflag:$0x3] =	sbarrier.arrive $0xFFFF;
	s2 =	simm.s32 @!p0 $0x1C02  }
0xa3: {  	[timem:s3], [sflag:s2] =	dma.local @!p0 [hbm:s0], s1  }
0xa4: {  	s0 =	simm.s32 @!p0 $0x2  }
0xa5: {  	_ =	swait.ge @!p0 [sflag:s0], s1  }
0xa6: {  	s1 =	ssub.s32 @!p0 $0x0, s1;
	[sflag:s0] =	ssyncset.done @!p0 $0x0  }
0xa7: {  	[sflag:s0] =	ssyncadd.s32 @!p0 s1  }
0xa8: {  	[bflag:$0x3] =	sbarrier.arrive $0xFFFF  }
0xa9: {  	_ =	shalt  }

// kernel: kernel.15.cloned.1.call-start
scs
__scs_entry_jumppad:
0x0: {  	(pc) =	sbr.rel $0x88, $3  }
0x1: {  	(tag) =	ssettag $0x0;
	lr =	simm.s32 $0x1  }
0x2: {  	[smem:$0x3F99] =	sst lr;
	_ =	strace $0xD0000000  }
0x3: {  	_ = 	snop  }
0x4: {  	_ = 	snop  }
0x5: {  	_ = 	snop  }
0x6: {  	_ = 	snop  }
0x7: {  	_ = 	snop  }
__scs_overlays_trampoline_lowered:
0x8: {  	[smem:$0x3FA8] =	sst s0  }
0x9: {  	[smem:$0x3FA9] =	sst s1  }
0xa: {  	[smem:$0x3FAA] =	sst s2  }
0xb: {  	[smem:$0x3FAB] =	sst s3  }
0xc: {  	[smem:$0x3FAC] =	sst s4  }
0xd: {  	[smem:$0x3FAD] =	sst s5  }
0xe: {  	[smem:$0x3FAE] =	sst s6  }
0xf: {  	[smem:$0x3FAF] =	sst s7  }
0x10: {  	[smem:$0x3FB0] =	sst s8  }
0x11: {  	[smem:$0x3FB1] =	sst s9;
	s0 =	simm.s32 @!p0 $0x0  }
0x12: {  	s1 =	sld [smem:$0x3F97];
	s0 =	simm.s32 @p0 $0x1  }
0x13: {  	[smem:$0x3FB2] =	sst s0;
	s0 =	simm.s32 @!p1 $0x0  }
0x14: {  	s2 =	sld [smem:$0x3F96];
	s0 =	simm.s32 @p1 $0x1  }
0x15: {  	[smem:$0x3FB3] =	sst s0;
	s0 =	simm.s32 @!p2 $0x0  }
0x16: {  	s3 =	sld [smem:$0x3FDB];
	s0 =	simm.s32 @p2 $0x1  }
0x17: {  	s4 =	simm.s32 $0x1BF5;
	[smem:$0x3FB5] =	sst s0  }
0x18: {  	s0 =	sld [smem:$0x3F98];
	_ =	swait.ge [sflag:s4], $0x0  }
0x19: {  	s7 =	sld [smem:$0x3F99]  }
0x1a: {  	s8 =	sadd.s32 $0xFFFFE003, lr  }
0x1b: {  	s9 =	sadd.s32 $0xFFFFFEF7, lr;
	s5 =	simm.s32 $0xFFFFFFFF;
	p2 =	slt.u32 s8, $0xFFFFF086  }
0x1c: {  	p1 =	slt.u32 s9, $0xF7A;
	s5 =	simm.s32 @!p2 $0x0  }
0x1d: {  	s5 =	simm.s32 @p1 $0x1;
	p0 =	seq.s32 s7, s2  }
0x1e: {  	s7 =	smul.u32 @!p0 $0xF7A, s2;
	p2 =	seq.s32 @!p0 s5, $0x0  }
0x1f: {  	s9 =	smul.u32 $0xF7A, s1;
	s8 =	simm.s32 @!p0 $0x1BF5;
	p2 =	por !p2, p0  }
0x20: {  	[sflag:s8] =	ssyncset.s32 @!p0 $0xFFFFF086;
	s6 =	sadd.s32 @!p0 s3, s7;
	s7 =	simm.s32 @!p0 $0x108  }
0x21: {  	s3 =	sadd.s32 s3, s9;
	s6 =	sadd.s32 @!p0 $0x88, s6;
	s7 =	simm.s32 @p2 $0x1082  }
0x22: {  	[simem:s7], [sflag:s8] =	dma.local @!p0 [hbm:s6], $0xF7A  }
0x23: {  	s9 =	sor.u32 $0xD0000000, s2;
	s6 =	simm.s32 $0x108;
	_ =	swait.ge @!p0 [sflag:s8], $0x0  }
0x24: {  	s3 =	sadd.s32 $0x88, s3;
	s6 =	simm.s32 @!p1 $0x1082;
	[sflag:s4] =	ssyncset.s32 $0xFFFFF086  }
0x25: {  	[simem:s6], [sflag:s4] =	dma.local [hbm:s3], $0xF7A  }
0x26: {  	[smem:$0x3F99] =	sst s1;
	(tag) =	ssettag s2;
	_ =	strace s9  }
0x27: {  	s1 =	sld [smem:$0x3FA9]  }
0x28: {  	s2 =	sld [smem:$0x3FAA]  }
0x29: {  	s4 =	sld [smem:$0x3FAC]  }
0x2a: {  	p0 =	seq.s32 s5, $0x0;
	s5 =	sld [smem:$0x3FAD]  }
0x2b: {  	s6 =	sld [smem:$0x3FAE]  }
0x2c: {  	s7 =	sld [smem:$0x3FAF]  }
0x2d: {  	s3 =	simm.s32 $0x108;
	s8 =	sld [smem:$0x3FB0]  }
0x2e: {  	s3 =	simm.s32 @!p0 $0x1082;
	s9 =	sld [smem:$0x3FB1]  }
0x2f: {  	lr =	sadd.s32 s0, s3;
	s0 =	sld [smem:$0x3FA8]  }
0x30: {  	s3 =	sld [smem:$0x3FAB]  }
0x31: {  	[smem:$0x3FB4] =	sst s10  }
0x32: {  	s10 =	sld [smem:$0x3FB2];
	_ =	sdelay $0x3  }
0x33: {  	p0 =	seq.s32 s10, $0x1;
	s10 =	sld [smem:$0x3FB4];
	_ =	sdelay $0x3  }
0x34: {  	[smem:$0x3FB4] =	sst s10  }
0x35: {  	s10 =	sld [smem:$0x3FB3];
	_ =	sdelay $0x3  }
0x36: {  	p1 =	seq.s32 s10, $0x1;
	s10 =	sld [smem:$0x3FB4];
	_ =	sdelay $0x3  }
0x37: {  	[smem:$0x3FB4] =	sst s10  }
0x38: {  	s10 =	sld [smem:$0x3FB5]  }
0x39: {  	_ = 	snop;
	(pc) =	sbr.ind lr, $3  }
0x3a: {  	_ = 	snop  }
0x3b: {  	_ = 	snop  }
0x3c: {  	p2 =	seq.s32 s10, $0x1;
	s10 =	sld [smem:$0x3FB4]  }
0x3d: {  	_ =	shalt  }
0x3e: {  	_ =	shalt  }
0x3f: {  	_ =	shalt  }
0x40: {  	_ =	shalt  }
0x41: {  	_ =	shalt  }
0x42: {  	_ =	shalt  }
0x43: {  	_ =	shalt  }
0x44: {  	_ =	shalt  }
0x45: {  	_ =	shalt  }
0x46: {  	_ =	shalt  }
0x47: {  	_ =	shalt  }
0x48: {  	_ =	shalt  }
0x49: {  	_ =	shalt  }
0x4a: {  	_ =	shalt  }
0x4b: {  	_ =	shalt  }
0x4c: {  	_ =	shalt  }
0x4d: {  	_ =	shalt  }
0x4e: {  	_ =	shalt  }
0x4f: {  	_ =	shalt  }
0x50: {  	_ =	shalt  }
0x51: {  	_ =	shalt  }
0x52: {  	_ =	shalt  }
0x53: {  	_ =	shalt  }
0x54: {  	_ =	shalt  }
0x55: {  	_ =	shalt  }
0x56: {  	_ =	shalt  }
0x57: {  	_ =	shalt  }
0x58: {  	_ =	shalt  }
0x59: {  	_ =	shalt  }
0x5a: {  	_ =	shalt  }
0x5b: {  	_ =	shalt  }
0x5c: {  	_ =	shalt  }
0x5d: {  	_ =	shalt  }
0x5e: {  	_ =	shalt  }
0x5f: {  	_ =	shalt  }
0x60: {  	_ =	shalt  }
0x61: {  	_ =	shalt  }
0x62: {  	_ =	shalt  }
0x63: {  	_ =	shalt  }
0x64: {  	_ =	shalt  }
0x65: {  	_ =	shalt  }
0x66: {  	_ =	shalt  }
0x67: {  	_ =	shalt  }
0x68: {  	_ =	shalt  }
0x69: {  	_ =	shalt  }
0x6a: {  	_ =	shalt  }
0x6b: {  	_ =	shalt  }
0x6c: {  	_ =	shalt  }
0x6d: {  	_ =	shalt  }
0x6e: {  	_ =	shalt  }
0x6f: {  	_ =	shalt  }
0x70: {  	_ =	shalt  }
0x71: {  	_ =	shalt  }
0x72: {  	_ =	shalt  }
0x73: {  	_ =	shalt  }
0x74: {  	_ =	shalt  }
0x75: {  	_ =	shalt  }
0x76: {  	_ =	shalt  }
0x77: {  	_ =	shalt  }
0x78: {  	_ =	shalt  }
0x79: {  	_ =	shalt  }
0x7a: {  	_ =	shalt  }
0x7b: {  	_ =	shalt  }
0x7c: {  	_ =	shalt  }
0x7d: {  	_ =	shalt  }
0x7e: {  	_ =	shalt  }
0x7f: {  	_ =	shalt  }
0x80: {  	_ =	shalt  }
0x81: {  	_ =	shalt  }
0x82: {  	_ =	shalt  }
0x83: {  	_ =	shalt  }
0x84: {  	_ =	shalt  }
0x85: {  	_ =	shalt  }
0x86: {  	_ =	shalt  }
0x87: {  	_ =	shalt  }
.Lfunc_end0:
.L_simem_size_0:
called_computation.2_lowered:
.L_overlay_start_0:
0x88: {  	s2 =	sld [smem:$0x3FD9]  }
0x89: {  	s3 =	sld [smem:$0x3FFE];
	_ =	sdelay $0x1  }
0x8a: {  	s1 =	srdreg.scid  }
0x8b: {  	s0 =	sand.u32 $0x1, s1  }
0x8c: {  	s17 =	sshll.u32 s0, $0xA;
	s2 =	sadd.s32 s3, s2  }
0x8d: {  	s2 =	sadd.s32 s2, s17  }
0x8e: {  	[smem:$0x3FC0] =	sst s2  }
0x8f: {  	_ = 	snop  }
0x90: {  	s2 =	sld [smem:$0x3FC8];
	(tm) =	ssettm $0x1  }
0x91: {  	s18 =	sld [smem:$0x3FFB];
	_ =	sdelay $0x3  }
0x92: {  	_ =	strace s18  }
0x93: {  	s3 =	sld [smem:$0x3FFC];
	_ =	sdelay $0x3  }
0x94: {  	_ =	strace s3  }
0x95: {  	s3 =	sld [smem:$0x3FFD];
	_ =	sdelay $0x3  }
0x96: {  	_ =	strace s3  }
0x97: {  	_ =	strace $0x8FFFFFFF  }
0x98: {  	s19 =	sld [smem:$0x3FDB];
	_ =	sdelay $0x1  }
0x99: {  	s4 =	simm.s32 $_scs_section_size  }
0x9a: {  	s5 =	simm.s32 $_size__tile_overlayer_lowered;
	s6 =	simm.s32 $_tile_overlayer_lowered  }
0x9b: {  	s22 =	simm.s32 $0x1BFF;
	s21 =	sshll.u32 s6, $0x1;
	s3 =	sadd.s32 s4, s19  }
0x9c: {  	s7 =	simm.s32 $0x0;
	s20 =	sshll.u32 s5, $0x1;
	s5 =	sadd.s32 s21, s3  }
0x9d: {  	[timem:s7], [sflag:s22] =	dma.local [hbm:s5], s20  }
0x9e: {  	_ =	swait.ge [sflag:s22], s20  }
0x9f: {  	s4 =	ssub.s32 $0x0, s20;
	[sflag:s22] =	ssyncset.done $0x0  }
0xa0: {  	[sflag:s22] =	ssyncadd.s32 s4;
	_ =	sdelay $0x1  }
0xa1: {  	s23 =	simm.s32 $0x1B8B  }
0xa2: {  	_ =	swait.ge [sflag:s23], $0x1  }
0xa3: {  	[sflag:s23] =	ssyncset.done $0x0  }
0xa4: {  	s25 =	simm.s32 $0x1B8E;
	s24 =	sld [smem:$0x3FFE];
	[sflag:s23] =	ssyncadd.s32 $0xFFFFFFFF  }
0xa5: {  	s26 =	simm.s32 $execute0_lowered;
	[smem:$0x3FD2] =	sst s25  }
0xa6: {  	s5 =	sshll.u32 s26, $0x1;
	_ =	strace $0x8000004C;
	[dreg:$0x1] =	wrdreg $0xFFFFFFFF  }
0xa7: {  	s28 =	simm.s32 $_size_execute0_lowered;
	s3 =	sadd.s32 s3, s5;
	[dreg:$0x0] =	wrdreg $0x0  }
0xa8: {  	s5 =	sshll.u32 s28, $0x1;
	[dreg:$0x2] =	wrdreg s3  }
0xa9: {  	[dreg:$0x3] =	wrdreg s5  }
0xaa: {  	[dreg:$0x4] =	wrdreg $0xC0  }
0xab: {  	_ =	task [dreg:s7], $0x5FFFF  }
0xac: {  	[dreg:$0x1] =	wrdreg $0xFFFFFFFF  }
0xad: {  	[dreg:$0x0] =	wrdreg $0x60  }
0xae: {  	[dreg:$0x2] =	wrdreg s2  }
0xaf: {  	[dreg:$0x3] =	wrdreg s24  }
0xb0: {  	[dreg:$0x4] =	wrdreg $0x9  }
0xb1: {  	_ =	task.clear_ibuf [dreg:s7], $0x5FFFF;
	_ =	strace $0x9000004C  }
0xb2: {  	s29 =	simm.s32 $0x9;
	_ =	strace $0x8000004E  }
0xb3: {  	_ =	swait.ge [sflag:s29], $0x1  }
0xb4: {  	[sflag:s29] =	ssyncadd.s32 $0xFFFFFFFF  }
0xb5: {  	_ =	strace $0x9000004E  }
0xb6: {  	_ =	sfence  }
0xb7: {  	s30 =	sld [smem:$0x0];
	_ =	sdelay $0x2  }
0xb8: {  	s31 =	sshll.u32 s1, $0xD;
	s1 =	sshrl.u32 s1, $0x2  }
0xb9: {  	s3 =	sand.u32 $0x4000, s31;
	s1 =	sadd.s32 s1, s30  }
0xba: {  	s0 =	sor.u32 s3, s0;
	s1 =	sshll.u32 s1, $0x11  }
0xbb: {  	s0 =	sor.u32 s1, s0  }
0xbc: {  	s0 =	sadd.s32 $0x8F2B, s0  }
0xbd: {  	[sflag:s0] =	ssyncadd.remote.s32 $0x1  }
0xbe: {  	_ =	sfence.sel $0xFFFF  }
0xbf: {  	[dreg:$0x0] =	wrdreg $0xFFFFFFFF;
	(pc) =	sbr.abs _section_cstart, $3  }
0xc0: {  	[dreg:$0x1] =	wrdreg $0xFFFFFFFF  }
0xc1: {  	_ =	task.clear_ibuf [dreg:s7], $0x2FFFF;
	_ =	strace $0x9FFFFFFF  }
0xc2: {  	(tm) =	ssettm $0x7FFFFFFF  }
0xc3: {  	_ =	shalt  }
tec
execute0_lowered:
.L_overlay_start_1:
0x0: {  	(tag) =	ssettag $0x1  }
0x1: {  	s1 =	srdreg.scid  }
0x2: {  	s0 =	stileid.u32;
	s4 =	rddreg [dreg:$0x0]  }
0x3: {  	s5 =	rddreg [dreg:$0x1];
	s2 =	simm.s32 $0x0;
	s26 =	smul.u32 $0x4E20, s0  }
0x4: {  	s14 =	simm.s32 $0x2;
	s6 =	sand.u32 $0x1, s1;
	s30 =	smul.u32 $0x9C40, s0  }
0x5: {  	s15 =	simm.s32 $0x0;
	s23 =	sshll.u32 s0, $0x1;
	s12 =	smul.u32 $0x2710, s6  }
0x6: {  	s1 =	rddreg [dreg:$0x2];
	s3 =	sor.u32 s6, s23;
	s29 =	smul.u32 $0x4E20, s6  }
0x7: {  	[smem:$0x7FF] =	sst s2;
	s9 =	ssub.s32 $0x2, s6;
	s8 =	smul.u32 $0x2710, s3  }
0x8: {  	_ =	strace $0x8000004D;
	s7 =	smul.u32 $0x4F0, s3;
	s24 =	sshrl.u32 s9, $0x1  }
0x9: {  	s3 =	sadd.s32 $0x2E00, s5;
	s9 =	ssub.s32 s9, s24;
	s10 =	sand.u32 $0x7FF80, s8  }
0xa: {  	[dreg:$0x3] =	wrdreg s29;
	s7 =	sadd.s32 s7, s5;
	s25 =	smin.u32 s10, $0x4BA80  }
0xb: {  	s10 =	sadd.s32 s12, s26;
	s7 =	sadd.s32 $0x3400, s7;
	s12 =	simm.s32 $0x1  }
0xc: {  	s11 =	ssub.s32 s8, s25;
	s5 =	sshrl.u32 s25, $0x2;
	s13 =	sshll.u32 s10, $0x1  }
0xd: {  	s10 =	sand.u32 $0x70, s10;
	s4 =	sadd.s32 s4, s5;
	s5 =	sand.u32 $0x70, s8  }
0xe: {  	s28 =	sshll.u32 s11, $0x1;
	s31 =	sand.u32 $0x1FFF00, s13;
	s10 =	sadd.s32 $0xF0, s10  }
0xf: {  	s11 =	simm.s32 $0x7680;
	s13 =	simm.s32 $0x4F00;
	s8 =	sand.u32 $0xFFFFFF00, s28  }
0x10: {  	v0 =	vimm.f32 $0.0e+00;
	s6 =	sor.u32 s5, s8;
	s8 =	smax.u32 s9, $0x1;
	s9 =	ssub.s32 s30, s31  }
.LBB2_1:
0x11: {  	[tilespmem:s2], [sflag:$0x1] =	stream.linear.gather [hbm4b:s4+s2], $0x4F00, $0x38;
	[tilespmem:$0x9E00] =	vst v63  }
0x12: {  	s16 =	simm.s32 $0x4F40  }
0x13: {  	[tilespmem:s11], [sflag:$0x1] =	stream.linear.gather [hbm4b:s3+s2], $0x2780, $0x38;
	[tilespmem:$0x9E00] =	vst v63  }
0x14: {  	[tilespmem:s16+$0xFFFFFFC0] =	vst v0  }
0x15: {  	[tilespmem:s16+$0x30] =	vst v0  }
0x16: {  	[tilespmem:s16+$0x20] =	vst v0  }
0x17: {  	[tilespmem:s16+$0x10] =	vst v0  }
0x18: {  	[tilespmem:s16+$0x0] =	vst v0  }
0x19: {  	[tilespmem:s16+$0xFFFFFFF0] =	vst v0  }
0x1a: {  	s17 =	simm.s32 $0x0;
	[tilespmem:s16+$0xFFFFFFE0] =	vst v0  }
.LBB2_2:
0x1b: {  	s17 =	sadd.s32 $0x8, s17;
	[tilespmem:s16+$0xFFFFFFD0] =	vst v0;
	s16 =	sadd.s32 $0x80, s16  }
0x1c: {  	[tilespmem:s16+$0xFFFFFFC0] =	vst v0;
	p0 =	slt.u32 s17, $0x268  }
0x1d: {  	[tilespmem:s16+$0x30] =	vst v0  }
.Ltmp0:
0x1e: {  	[tilespmem:s16+$0x20] =	vst v0;
	(pc) =	sbr.rel @p0 .LBB2_2-.Ltmp0, $4  }
0x1f: {  	[tilespmem:s16+$0x10] =	vst v0  }
0x20: {  	[tilespmem:s16+$0x0] =	vst v0  }
0x21: {  	[tilespmem:s16+$0xFFFFFFF0] =	vst v0  }
0x22: {  	[tilespmem:s16+$0xFFFFFFE0] =	vst v0  }
0x23: {  	[tilespmem:s16+$0xFFFFFFD0] =	vst v0  }
0x24: {  	[tilespmem:$0x7600] =	vst v0  }
0x25: {  	_ =	swait.ge [sflag:s12], $0x4F00  }
0x26: {  	[sflag:s12] =	ssyncset.done $0x0  }
0x27: {  	[sflag:s12] =	ssyncadd.s32 $0xFFFFB100  }
0x28: {  	_ =	swait.ge [sflag:s12], $0x2780  }
0x29: {  	s16 =	simm.s32 $0xFFFFFFF0;
	[sflag:s12] =	ssyncset.done $0x0  }
0x2a: {  	s17 =	smov.u32 s10;
	s18 =	smov.u32 s9;
	[sflag:s12] =	ssyncadd.s32 $0xFFFFD880  }
.LBB2_4:
0x2b: {  	s19 =	rddreg [dreg:$0x3]  }
0x2c: {  	s19 =	sadd.s32 s18, s19  }
0x2d: {  	s20 =	sand.u32 $0xFFFFFF00, s19  }
0x2e: {  	s20 =	sor.u32 s20, s5  }
0x2f: {  	v1 =	vld [tilespmem:s20+$0x0];
	_ =	sdelay $0x4  }
0x30: {  	v2 =	vld [tilespmem:s20+$0x80];
	_ =	sdelay $0x2  }
0x31: {  	v1 =	vld.idx.msk [tilespmem:v1+s11+$0x0], $0xffff;
	_ =	sdelay $0x2  }
0x32: {  	s22 =	sadd.s32 $0xFFFFFF20, s17;
	s21 =	sadd.s32 $0x20, s19  }
0x33: {  	s21 =	sand.u32 $0xFFFFFF00, s21;
	s20 =	sand.u32 $0x70, s22  }
0x34: {  	s20 =	sor.u32 s20, s21;
	[tilespmem:v2+s13+$0x0] =	vst.idx.add.f32.msk $0xffff, v1  }
0x35: {  	v1 =	vld [tilespmem:s20+$0x0];
	_ =	sdelay $0x4  }
0x36: {  	v2 =	vld [tilespmem:s20+$0x80];
	_ =	sdelay $0x2  }
0x37: {  	v1 =	vld.idx.msk [tilespmem:v1+s11+$0x0], $0xffff;
	_ =	sdelay $0x2  }
0x38: {  	s23 =	sadd.s32 $0xFFFFFF30, s17;
	s24 =	sadd.s32 $0x40, s19  }
0x39: {  	s21 =	sand.u32 $0xFFFFFF00, s24;
	s20 =	sand.u32 $0x70, s23  }
0x3a: {  	s20 =	sor.u32 s20, s21;
	[tilespmem:v2+s13+$0x0] =	vst.idx.add.f32.msk $0xffff, v1  }
0x3b: {  	v1 =	vld [tilespmem:s20+$0x0];
	_ =	sdelay $0x4  }
0x3c: {  	v2 =	vld [tilespmem:s20+$0x80];
	_ =	sdelay $0x2  }
0x3d: {  	v1 =	vld.idx.msk [tilespmem:v1+s11+$0x0], $0xffff;
	_ =	sdelay $0x2  }
0x3e: {  	s25 =	sadd.s32 $0xFFFFFF40, s17;
	s26 =	sadd.s32 $0x60, s19  }
0x3f: {  	s21 =	sand.u32 $0xFFFFFF00, s26;
	s20 =	sand.u32 $0x70, s25  }
0x40: {  	s20 =	sor.u32 s20, s21;
	[tilespmem:v2+s13+$0x0] =	vst.idx.add.f32.msk $0xffff, v1  }
0x41: {  	v1 =	vld [tilespmem:s20+$0x0];
	_ =	sdelay $0x4  }
0x42: {  	v2 =	vld [tilespmem:s20+$0x80];
	_ =	sdelay $0x2  }
0x43: {  	v1 =	vld.idx.msk [tilespmem:v1+s11+$0x0], $0xffff;
	_ =	sdelay $0x2  }
0x44: {  	s28 =	sadd.s32 $0xFFFFFF50, s17;
	s29 =	sadd.s32 $0x80, s19  }
0x45: {  	s21 =	sand.u32 $0xFFFFFF00, s29;
	s20 =	sand.u32 $0x70, s28  }
0x46: {  	s20 =	sor.u32 s20, s21;
	[tilespmem:v2+s13+$0x0] =	vst.idx.add.f32.msk $0xffff, v1  }
0x47: {  	v1 =	vld [tilespmem:s20+$0x0];
	_ =	sdelay $0x4  }
0x48: {  	v2 =	vld [tilespmem:s20+$0x80];
	_ =	sdelay $0x2  }
0x49: {  	v1 =	vld.idx.msk [tilespmem:v1+s11+$0x0], $0xffff;
	_ =	sdelay $0x2  }
0x4a: {  	s30 =	sadd.s32 $0xFFFFFF60, s17;
	s31 =	sadd.s32 $0xA0, s19  }
0x4b: {  	s21 =	sand.u32 $0xFFFFFF00, s31;
	s20 =	sand.u32 $0x70, s30  }
0x4c: {  	s20 =	sor.u32 s20, s21;
	[tilespmem:v2+s13+$0x0] =	vst.idx.add.f32.msk $0xffff, v1  }
0x4d: {  	v1 =	vld [tilespmem:s20+$0x0];
	_ =	sdelay $0x4  }
0x4e: {  	v2 =	vld [tilespmem:s20+$0x80];
	_ =	sdelay $0x2  }
0x4f: {  	v1 =	vld.idx.msk [tilespmem:v1+s11+$0x0], $0xffff;
	_ =	sdelay $0x2  }
0x50: {  	s22 =	sadd.s32 $0xFFFFFF70, s17;
	s23 =	sadd.s32 $0xC0, s19  }
0x51: {  	s21 =	sand.u32 $0xFFFFFF00, s23;
	s20 =	sand.u32 $0x70, s22  }
0x52: {  	s20 =	sor.u32 s20, s21;
	[tilespmem:v2+s13+$0x0] =	vst.idx.add.f32.msk $0xffff, v1  }
0x53: {  	v1 =	vld [tilespmem:s20+$0x0];
	_ =	sdelay $0x4  }
0x54: {  	v2 =	vld [tilespmem:s20+$0x80];
	_ =	sdelay $0x2  }
0x55: {  	v1 =	vld.idx.msk [tilespmem:v1+s11+$0x0], $0xffff;
	_ =	sdelay $0x2  }
0x56: {  	s24 =	sadd.s32 $0xFFFFFF80, s17;
	s25 =	sadd.s32 $0xE0, s19  }
0x57: {  	s21 =	sand.u32 $0xFFFFFF00, s25;
	s20 =	sand.u32 $0x70, s24  }
0x58: {  	s20 =	sor.u32 s20, s21;
	[tilespmem:v2+s13+$0x0] =	vst.idx.add.f32.msk $0xffff, v1  }
0x59: {  	v1 =	vld [tilespmem:s20+$0x0];
	_ =	sdelay $0x4  }
0x5a: {  	v2 =	vld [tilespmem:s20+$0x80];
	_ =	sdelay $0x2  }
0x5b: {  	v1 =	vld.idx.msk [tilespmem:v1+s11+$0x0], $0xffff;
	_ =	sdelay $0x2  }
0x5c: {  	s26 =	sadd.s32 $0x100, s19  }
0x5d: {  	s20 =	sand.u32 $0xFFFFFF00, s26  }
0x5e: {  	s20 =	sor.u32 s20, s5;
	[tilespmem:v2+s13+$0x0] =	vst.idx.add.f32.msk $0xffff, v1  }
0x5f: {  	v1 =	vld [tilespmem:s20+$0x0];
	_ =	sdelay $0x4  }
0x60: {  	v2 =	vld [tilespmem:s20+$0x80];
	_ =	sdelay $0x2  }
0x61: {  	v1 =	vld.idx.msk [tilespmem:v1+s11+$0x0], $0xffff;
	_ =	sdelay $0x2  }
0x62: {  	s29 =	sadd.s32 $0x120, s19;
	s28 =	sadd.s32 $0xFFFFFFA0, s17  }
0x63: {  	s21 =	sand.u32 $0xFFFFFF00, s29;
	s20 =	sand.u32 $0x70, s28  }
0x64: {  	s20 =	sor.u32 s20, s21;
	[tilespmem:v2+s13+$0x0] =	vst.idx.add.f32.msk $0xffff, v1  }
0x65: {  	v1 =	vld [tilespmem:s20+$0x0];
	_ =	sdelay $0x4  }
0x66: {  	v2 =	vld [tilespmem:s20+$0x80];
	_ =	sdelay $0x2  }
0x67: {  	v1 =	vld.idx.msk [tilespmem:v1+s11+$0x0], $0xffff;
	_ =	sdelay $0x2  }
0x68: {  	s31 =	sadd.s32 $0x140, s19;
	s30 =	sadd.s32 $0xFFFFFFB0, s17  }
0x69: {  	s21 =	sand.u32 $0xFFFFFF00, s31;
	s20 =	sand.u32 $0x70, s30  }
0x6a: {  	s20 =	sor.u32 s20, s21;
	[tilespmem:v2+s13+$0x0] =	vst.idx.add.f32.msk $0xffff, v1  }
0x6b: {  	v1 =	vld [tilespmem:s20+$0x0];
	_ =	sdelay $0x4  }
0x6c: {  	v2 =	vld [tilespmem:s20+$0x80];
	_ =	sdelay $0x2  }
0x6d: {  	v1 =	vld.idx.msk [tilespmem:v1+s11+$0x0], $0xffff;
	_ =	sdelay $0x2  }
0x6e: {  	s23 =	sadd.s32 $0x160, s19;
	s22 =	sadd.s32 $0xFFFFFFC0, s17  }
0x6f: {  	s21 =	sand.u32 $0xFFFFFF00, s23;
	s20 =	sand.u32 $0x70, s22  }
0x70: {  	s20 =	sor.u32 s20, s21;
	[tilespmem:v2+s13+$0x0] =	vst.idx.add.f32.msk $0xffff, v1  }
0x71: {  	v1 =	vld [tilespmem:s20+$0x0];
	_ =	sdelay $0x4  }
0x72: {  	v2 =	vld [tilespmem:s20+$0x80];
	_ =	sdelay $0x2  }
0x73: {  	v1 =	vld.idx.msk [tilespmem:v1+s11+$0x0], $0xffff;
	_ =	sdelay $0x2  }
0x74: {  	s25 =	sadd.s32 $0x180, s19;
	s24 =	sadd.s32 $0xFFFFFFD0, s17  }
0x75: {  	s21 =	sand.u32 $0xFFFFFF00, s25;
	s20 =	sand.u32 $0x70, s24  }
0x76: {  	s20 =	sor.u32 s20, s21;
	[tilespmem:v2+s13+$0x0] =	vst.idx.add.f32.msk $0xffff, v1  }
0x77: {  	v1 =	vld [tilespmem:s20+$0x0];
	_ =	sdelay $0x4  }
0x78: {  	v2 =	vld [tilespmem:s20+$0x80];
	_ =	sdelay $0x2  }
0x79: {  	v1 =	vld.idx.msk [tilespmem:v1+s11+$0x0], $0xffff;
	_ =	sdelay $0x2  }
0x7a: {  	s26 =	sadd.s32 $0xFFFFFFE0, s17;
	s28 =	sadd.s32 $0x1A0, s19  }
0x7b: {  	s21 =	sand.u32 $0xFFFFFF00, s28;
	s20 =	sand.u32 $0x70, s26  }
0x7c: {  	s20 =	sor.u32 s20, s21;
	[tilespmem:v2+s13+$0x0] =	vst.idx.add.f32.msk $0xffff, v1  }
0x7d: {  	v1 =	vld [tilespmem:s20+$0x0];
	_ =	sdelay $0x4  }
0x7e: {  	v2 =	vld [tilespmem:s20+$0x80];
	_ =	sdelay $0x2  }
0x7f: {  	v1 =	vld.idx.msk [tilespmem:v1+s11+$0x0], $0xffff;
	_ =	sdelay $0x2  }
0x80: {  	s29 =	sadd.s32 $0xFFFFFFF0, s17;
	s30 =	sadd.s32 $0x1C0, s19  }
0x81: {  	s21 =	sand.u32 $0xFFFFFF00, s30;
	s20 =	sand.u32 $0x70, s29  }
0x82: {  	s20 =	sor.u32 s20, s21;
	[tilespmem:v2+s13+$0x0] =	vst.idx.add.f32.msk $0xffff, v1  }
0x83: {  	v1 =	vld [tilespmem:s20+$0x0];
	_ =	sdelay $0x4  }
0x84: {  	v2 =	vld [tilespmem:s20+$0x80];
	_ =	sdelay $0x2  }
0x85: {  	v1 =	vld.idx.msk [tilespmem:v1+s11+$0x0], $0xffff;
	_ =	sdelay $0x2  }
0x86: {  	s19 =	sadd.s32 $0x1E0, s19  }
0x87: {  	s31 =	sand.u32 $0x70, s17;
	s19 =	sand.u32 $0xFFFFFF00, s19  }
0x88: {  	s19 =	sor.u32 s31, s19;
	[tilespmem:v2+s13+$0x0] =	vst.idx.add.f32.msk $0xffff, v1  }
0x89: {  	v1 =	vld [tilespmem:s19+$0x0];
	_ =	sdelay $0x4  }
0x8a: {  	v2 =	vld [tilespmem:s19+$0x80];
	_ =	sdelay $0x1  }
0x8b: {  	s16 =	sadd.s32 $0x10, s16  }
0x8c: {  	p0 =	slt.u32 s16, $0x260;
	v1 =	vld.idx.msk [tilespmem:v1+s11+$0x0], $0xffff  }
.Ltmp1:
0x8d: {  	_ = 	snop;
	(pc) =	sbr.rel @p0 .LBB2_4-.Ltmp1, $2  }
0x8e: {  	_ =	sdelay $0x2  }
0x8f: {  	s18 =	sadd.s32 $0x200, s18;
	s17 =	sadd.s32 $0x100, s17;
	[tilespmem:v2+s13+$0x0] =	vst.idx.add.f32.msk $0xffff, v1  }
0x90: {  	v1 =	vld [tilespmem:s6+$0x4E00];
	_ =	sdelay $0x4  }
0x91: {  	v2 =	vld [tilespmem:s6+$0x4E80];
	_ =	sdelay $0x2  }
0x92: {  	v1 =	vld.idx.msk [tilespmem:v1+s11+$0x0], $0xffff;
	_ =	sdelay $0x2  }
0x93: {  	s15 =	sadd.s32 $0x1, s15  }
0x94: {  	p0 =	sne.s32 s15, s8  }
.Ltmp2:
0x95: {  	[tilespmem:v2+s13+$0x0] =	vst.idx.add.f32.msk $0xffff, v1;
	(pc) =	sbr.rel @p0 .LBB2_1-.Ltmp2, $4  }
0x96: {  	[hbm4b:s7+s2] =	stream.linear.scatter [tilespmem:s13], [sflag:$0x2], $0x2710, $0x38;
	[tilespmem:$0x9E00] =	vst v63  }
0x97: {  	_ =	swait.ge [sflag:s14], $0x2710  }
0x98: {  	[sflag:s14] =	ssyncset.done $0x0  }
0x99: {  	[sflag:s14] =	ssyncadd.s32 $0xFFFFD8F0  }
0x9a: {  	_ =	sfence.sel $0x180000  }
0x9b: {  	[bflag:$0x0] =	sbarrier.arrive $0xFFFF  }
0x9c: {  	p0 =	sne.s32 s0, $0x0;
	_ =	strace $0x9000004D  }
0x9d: {  	s0 =	sadd.s32 @!p0 $0x100000, s1;
	[bflag:$0x2] =	sbarrier.arrive $0xFFFF  }
0x9e: {  	[sflag:s0] =	ssyncadd.tile.s32 @!p0 $0x1;
	_ =	shalt  }
.Lfunc_end2:
_tile_overlayer_lowered:
.L_overlay_start_2:
0x9f: {  	(tag) =	ssettag $0x2  }
0xa0: {  	s0 =	rddreg [dreg:$0x0];
	s2 =	stileid.u32  }
0xa1: {  	s1 =	rddreg [dreg:$0x1];
	p0 =	sne.s32 s2, $0x0  }
0xa2: {  	s3 =	rddreg [dreg:$0x2];
	[bflag:$0x3] =	sbarrier.arrive $0xFFFF;
	s2 =	simm.s32 @!p0 $0x1C02  }
0xa3: {  	[timem:s3], [sflag:s2] =	dma.local @!p0 [hbm:s0], s1  }
0xa4: {  	s0 =	simm.s32 @!p0 $0x2  }
0xa5: {  	_ =	swait.ge @!p0 [sflag:s0], s1  }
0xa6: {  	s1 =	ssub.s32 @!p0 $0x0, s1;
	[sflag:s0] =	ssyncset.done @!p0 $0x0  }
0xa7: {  	[sflag:s0] =	ssyncadd.s32 @!p0 s1  }
0xa8: {  	[bflag:$0x3] =	sbarrier.arrive $0xFFFF  }
0xa9: {  	_ =	shalt  }

// kernel: kernel.9.cloned.1.call-start
scs
__scs_entry_jumppad:
0x0: {  	(pc) =	sbr.rel $0x88, $3  }
0x1: {  	(tag) =	ssettag $0x0;
	lr =	simm.s32 $0x1  }
0x2: {  	[smem:$0x3F99] =	sst lr;
	_ =	strace $0xD0000000  }
0x3: {  	_ = 	snop  }
0x4: {  	_ = 	snop  }
0x5: {  	_ = 	snop  }
0x6: {  	_ = 	snop  }
0x7: {  	_ = 	snop  }
__scs_overlays_trampoline_lowered:
0x8: {  	[smem:$0x3FA8] =	sst s0  }
0x9: {  	[smem:$0x3FA9] =	sst s1  }
0xa: {  	[smem:$0x3FAA] =	sst s2  }
0xb: {  	[smem:$0x3FAB] =	sst s3  }
0xc: {  	[smem:$0x3FAC] =	sst s4  }
0xd: {  	[smem:$0x3FAD] =	sst s5  }
0xe: {  	[smem:$0x3FAE] =	sst s6  }
0xf: {  	[smem:$0x3FAF] =	sst s7  }
0x10: {  	[smem:$0x3FB0] =	sst s8  }
0x11: {  	[smem:$0x3FB1] =	sst s9;
	s0 =	simm.s32 @!p0 $0x0  }
0x12: {  	s1 =	sld [smem:$0x3F97];
	s0 =	simm.s32 @p0 $0x1  }
0x13: {  	[smem:$0x3FB2] =	sst s0;
	s0 =	simm.s32 @!p1 $0x0  }
0x14: {  	s2 =	sld [smem:$0x3F96];
	s0 =	simm.s32 @p1 $0x1  }
0x15: {  	[smem:$0x3FB3] =	sst s0;
	s0 =	simm.s32 @!p2 $0x0  }
0x16: {  	s3 =	sld [smem:$0x3FDB];
	s0 =	simm.s32 @p2 $0x1  }
0x17: {  	s4 =	simm.s32 $0x1BF5;
	[smem:$0x3FB5] =	sst s0  }
0x18: {  	s0 =	sld [smem:$0x3F98];
	_ =	swait.ge [sflag:s4], $0x0  }
0x19: {  	s7 =	sld [smem:$0x3F99]  }
0x1a: {  	s8 =	sadd.s32 $0xFFFFE003, lr  }
0x1b: {  	s9 =	sadd.s32 $0xFFFFFEF7, lr;
	s5 =	simm.s32 $0xFFFFFFFF;
	p2 =	slt.u32 s8, $0xFFFFF086  }
0x1c: {  	p1 =	slt.u32 s9, $0xF7A;
	s5 =	simm.s32 @!p2 $0x0  }
0x1d: {  	s5 =	simm.s32 @p1 $0x1;
	p0 =	seq.s32 s7, s2  }
0x1e: {  	s7 =	smul.u32 @!p0 $0xF7A, s2;
	p2 =	seq.s32 @!p0 s5, $0x0  }
0x1f: {  	s9 =	smul.u32 $0xF7A, s1;
	s8 =	simm.s32 @!p0 $0x1BF5;
	p2 =	por !p2, p0  }
0x20: {  	[sflag:s8] =	ssyncset.s32 @!p0 $0xFFFFF086;
	s6 =	sadd.s32 @!p0 s3, s7;
	s7 =	simm.s32 @!p0 $0x108  }
0x21: {  	s3 =	sadd.s32 s3, s9;
	s6 =	sadd.s32 @!p0 $0x88, s6;
	s7 =	simm.s32 @p2 $0x1082  }
0x22: {  	[simem:s7], [sflag:s8] =	dma.local @!p0 [hbm:s6], $0xF7A  }
0x23: {  	s9 =	sor.u32 $0xD0000000, s2;
	s6 =	simm.s32 $0x108;
	_ =	swait.ge @!p0 [sflag:s8], $0x0  }
0x24: {  	s3 =	sadd.s32 $0x88, s3;
	s6 =	simm.s32 @!p1 $0x1082;
	[sflag:s4] =	ssyncset.s32 $0xFFFFF086  }
0x25: {  	[simem:s6], [sflag:s4] =	dma.local [hbm:s3], $0xF7A  }
0x26: {  	[smem:$0x3F99] =	sst s1;
	(tag) =	ssettag s2;
	_ =	strace s9  }
0x27: {  	s1 =	sld [smem:$0x3FA9]  }
0x28: {  	s2 =	sld [smem:$0x3FAA]  }
0x29: {  	s4 =	sld [smem:$0x3FAC]  }
0x2a: {  	p0 =	seq.s32 s5, $0x0;
	s5 =	sld [smem:$0x3FAD]  }
0x2b: {  	s6 =	sld [smem:$0x3FAE]  }
0x2c: {  	s7 =	sld [smem:$0x3FAF]  }
0x2d: {  	s3 =	simm.s32 $0x108;
	s8 =	sld [smem:$0x3FB0]  }
0x2e: {  	s3 =	simm.s32 @!p0 $0x1082;
	s9 =	sld [smem:$0x3FB1]  }
0x2f: {  	lr =	sadd.s32 s0, s3;
	s0 =	sld [smem:$0x3FA8]  }
0x30: {  	s3 =	sld [smem:$0x3FAB]  }
0x31: {  	[smem:$0x3FB4] =	sst s10  }
0x32: {  	s10 =	sld [smem:$0x3FB2];
	_ =	sdelay $0x3  }
0x33: {  	p0 =	seq.s32 s10, $0x1;
	s10 =	sld [smem:$0x3FB4];
	_ =	sdelay $0x3  }
0x34: {  	[smem:$0x3FB4] =	sst s10  }
0x35: {  	s10 =	sld [smem:$0x3FB3];
	_ =	sdelay $0x3  }
0x36: {  	p1 =	seq.s32 s10, $0x1;
	s10 =	sld [smem:$0x3FB4];
	_ =	sdelay $0x3  }
0x37: {  	[smem:$0x3FB4] =	sst s10  }
0x38: {  	s10 =	sld [smem:$0x3FB5]  }
0x39: {  	_ = 	snop;
	(pc) =	sbr.ind lr, $3  }
0x3a: {  	_ = 	snop  }
0x3b: {  	_ = 	snop  }
0x3c: {  	p2 =	seq.s32 s10, $0x1;
	s10 =	sld [smem:$0x3FB4]  }
0x3d: {  	_ =	shalt  }
0x3e: {  	_ =	shalt  }
0x3f: {  	_ =	shalt  }
0x40: {  	_ =	shalt  }
0x41: {  	_ =	shalt  }
0x42: {  	_ =	shalt  }
0x43: {  	_ =	shalt  }
0x44: {  	_ =	shalt  }
0x45: {  	_ =	shalt  }
0x46: {  	_ =	shalt  }
0x47: {  	_ =	shalt  }
0x48: {  	_ =	shalt  }
0x49: {  	_ =	shalt  }
0x4a: {  	_ =	shalt  }
0x4b: {  	_ =	shalt  }
0x4c: {  	_ =	shalt  }
0x4d: {  	_ =	shalt  }
0x4e: {  	_ =	shalt  }
0x4f: {  	_ =	shalt  }
0x50: {  	_ =	shalt  }
0x51: {  	_ =	shalt  }
0x52: {  	_ =	shalt  }
0x53: {  	_ =	shalt  }
0x54: {  	_ =	shalt  }
0x55: {  	_ =	shalt  }
0x56: {  	_ =	shalt  }
0x57: {  	_ =	shalt  }
0x58: {  	_ =	shalt  }
0x59: {  	_ =	shalt  }
0x5a: {  	_ =	shalt  }
0x5b: {  	_ =	shalt  }
0x5c: {  	_ =	shalt  }
0x5d: {  	_ =	shalt  }
0x5e: {  	_ =	shalt  }
0x5f: {  	_ =	shalt  }
0x60: {  	_ =	shalt  }
0x61: {  	_ =	shalt  }
0x62: {  	_ =	shalt  }
0x63: {  	_ =	shalt  }
0x64: {  	_ =	shalt  }
0x65: {  	_ =	shalt  }
0x66: {  	_ =	shalt  }
0x67: {  	_ =	shalt  }
0x68: {  	_ =	shalt  }
0x69: {  	_ =	shalt  }
0x6a: {  	_ =	shalt  }
0x6b: {  	_ =	shalt  }
0x6c: {  	_ =	shalt  }
0x6d: {  	_ =	shalt  }
0x6e: {  	_ =	shalt  }
0x6f: {  	_ =	shalt  }
0x70: {  	_ =	shalt  }
0x71: {  	_ =	shalt  }
0x72: {  	_ =	shalt  }
0x73: {  	_ =	shalt  }
0x74: {  	_ =	shalt  }
0x75: {  	_ =	shalt  }
0x76: {  	_ =	shalt  }
0x77: {  	_ =	shalt  }
0x78: {  	_ =	shalt  }
0x79: {  	_ =	shalt  }
0x7a: {  	_ =	shalt  }
0x7b: {  	_ =	shalt  }
0x7c: {  	_ =	shalt  }
0x7d: {  	_ =	shalt  }
0x7e: {  	_ =	shalt  }
0x7f: {  	_ =	shalt  }
0x80: {  	_ =	shalt  }
0x81: {  	_ =	shalt  }
0x82: {  	_ =	shalt  }
0x83: {  	_ =	shalt  }
0x84: {  	_ =	shalt  }
0x85: {  	_ =	shalt  }
0x86: {  	_ =	shalt  }
0x87: {  	_ =	shalt  }
.Lfunc_end0:
.L_simem_size_0:
called_computation_lowered:
.L_overlay_start_0:
0x88: {  	s2 =	sld [smem:$0x3FD9]  }
0x89: {  	s3 =	sld [smem:$0x3FFE];
	_ =	sdelay $0x1  }
0x8a: {  	s1 =	srdreg.scid  }
0x8b: {  	s0 =	sand.u32 $0x1, s1  }
0x8c: {  	s17 =	sshll.u32 s0, $0xA;
	s2 =	sadd.s32 s3, s2  }
0x8d: {  	s2 =	sadd.s32 s2, s17  }
0x8e: {  	[smem:$0x3FC0] =	sst s2  }
0x8f: {  	_ = 	snop  }
0x90: {  	s2 =	sld [smem:$0x3FC8];
	(tm) =	ssettm $0x1  }
0x91: {  	s18 =	sld [smem:$0x3FFB];
	_ =	sdelay $0x3  }
0x92: {  	_ =	strace s18  }
0x93: {  	s3 =	sld [smem:$0x3FFC];
	_ =	sdelay $0x3  }
0x94: {  	_ =	strace s3  }
0x95: {  	s3 =	sld [smem:$0x3FFD];
	_ =	sdelay $0x3  }
0x96: {  	_ =	strace s3  }
0x97: {  	_ =	strace $0x8FFFFFFF  }
0x98: {  	s19 =	sld [smem:$0x3FDB];
	_ =	sdelay $0x1  }
0x99: {  	s4 =	simm.s32 $_scs_section_size  }
0x9a: {  	s5 =	simm.s32 $_size__tile_overlayer_lowered;
	s6 =	simm.s32 $_tile_overlayer_lowered  }
0x9b: {  	s22 =	simm.s32 $0x1BFF;
	s21 =	sshll.u32 s6, $0x1;
	s3 =	sadd.s32 s4, s19  }
0x9c: {  	s7 =	simm.s32 $0x0;
	s20 =	sshll.u32 s5, $0x1;
	s5 =	sadd.s32 s21, s3  }
0x9d: {  	[timem:s7], [sflag:s22] =	dma.local [hbm:s5], s20  }
0x9e: {  	_ =	swait.ge [sflag:s22], s20  }
0x9f: {  	s4 =	ssub.s32 $0x0, s20;
	[sflag:s22] =	ssyncset.done $0x0  }
0xa0: {  	[sflag:s22] =	ssyncadd.s32 s4;
	_ =	sdelay $0x1  }
0xa1: {  	s23 =	simm.s32 $0x1B8B  }
0xa2: {  	_ =	swait.ge [sflag:s23], $0x1  }
0xa3: {  	[sflag:s23] =	ssyncset.done $0x0  }
0xa4: {  	s25 =	simm.s32 $0x1B8E;
	s24 =	sld [smem:$0x3FFE];
	[sflag:s23] =	ssyncadd.s32 $0xFFFFFFFF  }
0xa5: {  	s26 =	simm.s32 $execute0_lowered;
	[smem:$0x3FD2] =	sst s25  }
0xa6: {  	s5 =	sshll.u32 s26, $0x1;
	_ =	strace $0x80000046;
	[dreg:$0x1] =	wrdreg $0xFFFFFFFF  }
0xa7: {  	s28 =	simm.s32 $_size_execute0_lowered;
	s3 =	sadd.s32 s3, s5;
	[dreg:$0x0] =	wrdreg $0x0  }
0xa8: {  	s5 =	sshll.u32 s28, $0x1;
	[dreg:$0x2] =	wrdreg s3  }
0xa9: {  	[dreg:$0x3] =	wrdreg s5  }
0xaa: {  	[dreg:$0x4] =	wrdreg $0xC0  }
0xab: {  	_ =	task [dreg:s7], $0x5FFFF  }
0xac: {  	[dreg:$0x1] =	wrdreg $0xFFFFFFFF  }
0xad: {  	[dreg:$0x0] =	wrdreg $0x60  }
0xae: {  	[dreg:$0x2] =	wrdreg s2  }
0xaf: {  	[dreg:$0x3] =	wrdreg s24  }
0xb0: {  	[dreg:$0x4] =	wrdreg $0x9  }
0xb1: {  	_ =	task.clear_ibuf [dreg:s7], $0x5FFFF;
	_ =	strace $0x90000046  }
0xb2: {  	s29 =	simm.s32 $0x9;
	_ =	strace $0x80000048  }
0xb3: {  	_ =	swait.ge [sflag:s29], $0x1  }
0xb4: {  	[sflag:s29] =	ssyncadd.s32 $0xFFFFFFFF  }
0xb5: {  	_ =	strace $0x90000048  }
0xb6: {  	_ =	sfence  }
0xb7: {  	s30 =	sld [smem:$0x0];
	_ =	sdelay $0x2  }
0xb8: {  	s31 =	sshll.u32 s1, $0xD;
	s1 =	sshrl.u32 s1, $0x2  }
0xb9: {  	s3 =	sand.u32 $0x4000, s31;
	s1 =	sadd.s32 s1, s30  }
0xba: {  	s0 =	sor.u32 s3, s0;
	s1 =	sshll.u32 s1, $0x11  }
0xbb: {  	s0 =	sor.u32 s1, s0  }
0xbc: {  	s0 =	sadd.s32 $0x8F2B, s0  }
0xbd: {  	[sflag:s0] =	ssyncadd.remote.s32 $0x1  }
0xbe: {  	_ =	sfence.sel $0xFFFF  }
0xbf: {  	[dreg:$0x0] =	wrdreg $0xFFFFFFFF;
	(pc) =	sbr.abs _section_cstart, $3  }
0xc0: {  	[dreg:$0x1] =	wrdreg $0xFFFFFFFF  }
0xc1: {  	_ =	task.clear_ibuf [dreg:s7], $0x2FFFF;
	_ =	strace $0x9FFFFFFF  }
0xc2: {  	(tm) =	ssettm $0x7FFFFFFF  }
0xc3: {  	_ =	shalt  }
tec
execute0_lowered:
.L_overlay_start_1:
0x0: {  	(tag) =	ssettag $0x1  }
0x1: {  	s1 =	srdreg.scid;
	s4 =	rddreg [dreg:$0x0]  }
0x2: {  	s0 =	stileid.u32;
	s5 =	rddreg [dreg:$0x1]  }
0x3: {  	s2 =	simm.s32 $0x0;
	s13 =	simm.s32 $0x0;
	s12 =	smul.u32 $0x4E20, s0  }
0x4: {  	s7 =	sand.u32 $0x1, s1;
	s1 =	rddreg [dreg:$0x2];
	s30 =	smul.u32 $0x9C40, s0  }
0x5: {  	s22 =	sshll.u32 s0, $0x1;
	[smem:$0x7FF] =	sst s2;
	s26 =	smul.u32 $0x2710, s7  }
0x6: {  	s3 =	sor.u32 s7, s22;
	s9 =	ssub.s32 $0x2, s7;
	s28 =	smul.u32 $0x4E20, s7  }
0x7: {  	_ =	strace $0x80000047;
	s6 =	smul.u32 $0x2710, s3;
	s23 =	sshrl.u32 s9, $0x1  }
0x8: {  	s3 =	smul.u32 $0x4F0, s3;
	s9 =	ssub.s32 s9, s23;
	s29 =	sadd.s32 s26, s12  }
0x9: {  	[dreg:$0x3] =	wrdreg s28;
	s12 =	simm.s32 $0x2;
	s8 =	sand.u32 $0x7FF80, s6  }
0xa: {  	s10 =	sadd.s32 s3, s5;
	s3 =	sand.u32 $0x70, s6;
	s8 =	smin.u32 s8, $0x4BA80  }
0xb: {  	s7 =	smax.u32 s9, $0x1;
	s24 =	ssub.s32 s6, s8;
	s8 =	sshrl.u32 s8, $0x2  }
0xc: {  	s6 =	sadd.s32 $0x2E00, s10;
	s10 =	sand.u32 $0x70, s29;
	s11 =	sshll.u32 s24, $0x1  }
0xd: {  	s4 =	sadd.s32 s4, s8;
	s25 =	sand.u32 $0xFFFFFF00, s11;
	s11 =	sshll.u32 s29, $0x1  }
0xe: {  	s9 =	sadd.s32 $0xF0, s10;
	s10 =	simm.s32 $0x1;
	s31 =	sand.u32 $0x1FFF00, s11  }
0xf: {  	v0 =	vimm.f32 $0.0e+00;
	v1 =	vimm.f32 $1.000000000e+00;
	s5 =	sor.u32 s3, s25;
	s11 =	simm.s32 $0x4F00;
	s8 =	ssub.s32 s30, s31  }
.LBB2_1:
0x10: {  	[tilespmem:s2], [sflag:$0x1] =	stream.linear.gather [hbm4b:s4+s2], $0x4F00, $0x38;
	[tilespmem:$0x7680] =	vst v63  }
0x11: {  	s14 =	simm.s32 $0x4F40  }
0x12: {  	[tilespmem:s14+$0xFFFFFFC0] =	vst v0  }
0x13: {  	[tilespmem:s14+$0x30] =	vst v0  }
0x14: {  	[tilespmem:s14+$0x20] =	vst v0  }
0x15: {  	[tilespmem:s14+$0x10] =	vst v0  }
0x16: {  	[tilespmem:s14+$0x0] =	vst v0  }
0x17: {  	[tilespmem:s14+$0xFFFFFFF0] =	vst v0  }
0x18: {  	s15 =	simm.s32 $0x0;
	[tilespmem:s14+$0xFFFFFFE0] =	vst v0  }
.LBB2_2:
0x19: {  	s15 =	sadd.s32 $0x8, s15;
	[tilespmem:s14+$0xFFFFFFD0] =	vst v0;
	s14 =	sadd.s32 $0x80, s14  }
0x1a: {  	[tilespmem:s14+$0xFFFFFFC0] =	vst v0;
	p0 =	slt.u32 s15, $0x268  }
0x1b: {  	[tilespmem:s14+$0x30] =	vst v0  }
.Ltmp0:
0x1c: {  	[tilespmem:s14+$0x20] =	vst v0;
	(pc) =	sbr.rel @p0 .LBB2_2-.Ltmp0, $4  }
0x1d: {  	[tilespmem:s14+$0x10] =	vst v0  }
0x1e: {  	[tilespmem:s14+$0x0] =	vst v0  }
0x1f: {  	[tilespmem:s14+$0xFFFFFFF0] =	vst v0  }
0x20: {  	[tilespmem:s14+$0xFFFFFFE0] =	vst v0  }
0x21: {  	[tilespmem:s14+$0xFFFFFFD0] =	vst v0  }
0x22: {  	[tilespmem:$0x7600] =	vst v0  }
0x23: {  	_ =	swait.ge [sflag:s10], $0x4F00  }
0x24: {  	s14 =	simm.s32 $0xFFFFFFF0;
	[sflag:s10] =	ssyncset.done $0x0  }
0x25: {  	s15 =	smov.u32 s9;
	s16 =	smov.u32 s8;
	[sflag:s10] =	ssyncadd.s32 $0xFFFFB100  }
.LBB2_4:
0x26: {  	s17 =	rddreg [dreg:$0x3]  }
0x27: {  	s17 =	sadd.s32 s16, s17  }
0x28: {  	s18 =	sand.u32 $0xFFFFFF00, s17  }
0x29: {  	s18 =	sor.u32 s18, s3  }
0x2a: {  	v2 =	vld [tilespmem:s18+$0x80];
	_ =	sdelay $0x5  }
0x2b: {  	s26 =	sadd.s32 $0xFFFFFF20, s15;
	s19 =	sadd.s32 $0x20, s17  }
0x2c: {  	s19 =	sand.u32 $0xFFFFFF00, s19;
	s18 =	sand.u32 $0x70, s26  }
0x2d: {  	s18 =	sor.u32 s18, s19;
	[tilespmem:v2+s11+$0x0] =	vst.idx.add.f32.msk $0xffff, v1  }
0x2e: {  	v2 =	vld [tilespmem:s18+$0x80];
	_ =	sdelay $0x5  }
0x2f: {  	s28 =	sadd.s32 $0xFFFFFF30, s15;
	s29 =	sadd.s32 $0x40, s17  }
0x30: {  	s19 =	sand.u32 $0xFFFFFF00, s29;
	s18 =	sand.u32 $0x70, s28  }
0x31: {  	s18 =	sor.u32 s18, s19;
	[tilespmem:v2+s11+$0x0] =	vst.idx.add.f32.msk $0xffff, v1  }
0x32: {  	v2 =	vld [tilespmem:s18+$0x80];
	_ =	sdelay $0x5  }
0x33: {  	s30 =	sadd.s32 $0xFFFFFF40, s15;
	s31 =	sadd.s32 $0x60, s17  }
0x34: {  	s19 =	sand.u32 $0xFFFFFF00, s31;
	s18 =	sand.u32 $0x70, s30  }
0x35: {  	s18 =	sor.u32 s18, s19;
	[tilespmem:v2+s11+$0x0] =	vst.idx.add.f32.msk $0xffff, v1  }
0x36: {  	v2 =	vld [tilespmem:s18+$0x80];
	_ =	sdelay $0x5  }
0x37: {  	s20 =	sadd.s32 $0xFFFFFF50, s15;
	s21 =	sadd.s32 $0x80, s17  }
0x38: {  	s19 =	sand.u32 $0xFFFFFF00, s21;
	s18 =	sand.u32 $0x70, s20  }
0x39: {  	s18 =	sor.u32 s18, s19;
	[tilespmem:v2+s11+$0x0] =	vst.idx.add.f32.msk $0xffff, v1  }
0x3a: {  	v2 =	vld [tilespmem:s18+$0x80];
	_ =	sdelay $0x5  }
0x3b: {  	s22 =	sadd.s32 $0xFFFFFF60, s15;
	s23 =	sadd.s32 $0xA0, s17  }
0x3c: {  	s19 =	sand.u32 $0xFFFFFF00, s23;
	s18 =	sand.u32 $0x70, s22  }
0x3d: {  	s18 =	sor.u32 s18, s19;
	[tilespmem:v2+s11+$0x0] =	vst.idx.add.f32.msk $0xffff, v1  }
0x3e: {  	v2 =	vld [tilespmem:s18+$0x80];
	_ =	sdelay $0x5  }
0x3f: {  	s24 =	sadd.s32 $0xFFFFFF70, s15;
	s25 =	sadd.s32 $0xC0, s17  }
0x40: {  	s19 =	sand.u32 $0xFFFFFF00, s25;
	s18 =	sand.u32 $0x70, s24  }
0x41: {  	s18 =	sor.u32 s18, s19;
	[tilespmem:v2+s11+$0x0] =	vst.idx.add.f32.msk $0xffff, v1  }
0x42: {  	v2 =	vld [tilespmem:s18+$0x80];
	_ =	sdelay $0x5  }
0x43: {  	s26 =	sadd.s32 $0xFFFFFF80, s15;
	s28 =	sadd.s32 $0xE0, s17  }
0x44: {  	s19 =	sand.u32 $0xFFFFFF00, s28;
	s18 =	sand.u32 $0x70, s26  }
0x45: {  	s18 =	sor.u32 s18, s19;
	[tilespmem:v2+s11+$0x0] =	vst.idx.add.f32.msk $0xffff, v1  }
0x46: {  	v2 =	vld [tilespmem:s18+$0x80];
	_ =	sdelay $0x5  }
0x47: {  	s29 =	sadd.s32 $0x100, s17  }
0x48: {  	s18 =	sand.u32 $0xFFFFFF00, s29  }
0x49: {  	s18 =	sor.u32 s18, s3;
	[tilespmem:v2+s11+$0x0] =	vst.idx.add.f32.msk $0xffff, v1  }
0x4a: {  	v2 =	vld [tilespmem:s18+$0x80];
	_ =	sdelay $0x5  }
0x4b: {  	s31 =	sadd.s32 $0x120, s17;
	s30 =	sadd.s32 $0xFFFFFFA0, s15  }
0x4c: {  	s19 =	sand.u32 $0xFFFFFF00, s31;
	s18 =	sand.u32 $0x70, s30  }
0x4d: {  	s18 =	sor.u32 s18, s19;
	[tilespmem:v2+s11+$0x0] =	vst.idx.add.f32.msk $0xffff, v1  }
0x4e: {  	v2 =	vld [tilespmem:s18+$0x80];
	_ =	sdelay $0x5  }
0x4f: {  	s21 =	sadd.s32 $0x140, s17;
	s20 =	sadd.s32 $0xFFFFFFB0, s15  }
0x50: {  	s19 =	sand.u32 $0xFFFFFF00, s21;
	s18 =	sand.u32 $0x70, s20  }
0x51: {  	s18 =	sor.u32 s18, s19;
	[tilespmem:v2+s11+$0x0] =	vst.idx.add.f32.msk $0xffff, v1  }
0x52: {  	v2 =	vld [tilespmem:s18+$0x80];
	_ =	sdelay $0x5  }
0x53: {  	s23 =	sadd.s32 $0x160, s17;
	s22 =	sadd.s32 $0xFFFFFFC0, s15  }
0x54: {  	s19 =	sand.u32 $0xFFFFFF00, s23;
	s18 =	sand.u32 $0x70, s22  }
0x55: {  	s18 =	sor.u32 s18, s19;
	[tilespmem:v2+s11+$0x0] =	vst.idx.add.f32.msk $0xffff, v1  }
0x56: {  	v2 =	vld [tilespmem:s18+$0x80];
	_ =	sdelay $0x5  }
0x57: {  	s25 =	sadd.s32 $0x180, s17;
	s24 =	sadd.s32 $0xFFFFFFD0, s15  }
0x58: {  	s19 =	sand.u32 $0xFFFFFF00, s25;
	s18 =	sand.u32 $0x70, s24  }
0x59: {  	s18 =	sor.u32 s18, s19;
	[tilespmem:v2+s11+$0x0] =	vst.idx.add.f32.msk $0xffff, v1  }
0x5a: {  	v2 =	vld [tilespmem:s18+$0x80];
	_ =	sdelay $0x5  }
0x5b: {  	s28 =	sadd.s32 $0x1A0, s17;
	s26 =	sadd.s32 $0xFFFFFFE0, s15  }
0x5c: {  	s19 =	sand.u32 $0xFFFFFF00, s28;
	s18 =	sand.u32 $0x70, s26  }
0x5d: {  	s18 =	sor.u32 s18, s19;
	[tilespmem:v2+s11+$0x0] =	vst.idx.add.f32.msk $0xffff, v1  }
0x5e: {  	v2 =	vld [tilespmem:s18+$0x80];
	_ =	sdelay $0x5  }
0x5f: {  	s29 =	sadd.s32 $0xFFFFFFF0, s15;
	s30 =	sadd.s32 $0x1C0, s17  }
0x60: {  	s19 =	sand.u32 $0xFFFFFF00, s30;
	s18 =	sand.u32 $0x70, s29  }
0x61: {  	s18 =	sor.u32 s18, s19;
	[tilespmem:v2+s11+$0x0] =	vst.idx.add.f32.msk $0xffff, v1  }
0x62: {  	v2 =	vld [tilespmem:s18+$0x80];
	_ =	sdelay $0x5  }
0x63: {  	s17 =	sadd.s32 $0x1E0, s17  }
0x64: {  	s31 =	sand.u32 $0x70, s15;
	s17 =	sand.u32 $0xFFFFFF00, s17  }
0x65: {  	s17 =	sor.u32 s31, s17;
	[tilespmem:v2+s11+$0x0] =	vst.idx.add.f32.msk $0xffff, v1  }
0x66: {  	v2 =	vld [tilespmem:s17+$0x80];
	_ =	sdelay $0x1  }
0x67: {  	s14 =	sadd.s32 $0x10, s14  }
0x68: {  	p0 =	slt.u32 s14, $0x260  }
.Ltmp1:
0x69: {  	_ = 	snop;
	(pc) =	sbr.rel @p0 .LBB2_4-.Ltmp1, $2  }
0x6a: {  	_ =	sdelay $0x2  }
0x6b: {  	s16 =	sadd.s32 $0x200, s16;
	s15 =	sadd.s32 $0x100, s15;
	[tilespmem:v2+s11+$0x0] =	vst.idx.add.f32.msk $0xffff, v1  }
0x6c: {  	v2 =	vld [tilespmem:s5+$0x4E80];
	_ =	sdelay $0x5  }
0x6d: {  	s13 =	sadd.s32 $0x1, s13  }
0x6e: {  	p0 =	sne.s32 s13, s7  }
.Ltmp2:
0x6f: {  	[tilespmem:v2+s11+$0x0] =	vst.idx.add.f32.msk $0xffff, v1;
	(pc) =	sbr.rel @p0 .LBB2_1-.Ltmp2, $4  }
0x70: {  	[hbm4b:s6+s2] =	stream.linear.scatter [tilespmem:s11], [sflag:$0x2], $0x2710, $0x38;
	[tilespmem:$0x7680] =	vst v63  }
0x71: {  	_ =	swait.ge [sflag:s12], $0x2710  }
0x72: {  	[sflag:s12] =	ssyncset.done $0x0  }
0x73: {  	[sflag:s12] =	ssyncadd.s32 $0xFFFFD8F0  }
0x74: {  	_ =	sfence.sel $0x180000  }
0x75: {  	[bflag:$0x0] =	sbarrier.arrive $0xFFFF  }
0x76: {  	p0 =	sne.s32 s0, $0x0;
	_ =	strace $0x90000047  }
0x77: {  	s0 =	sadd.s32 @!p0 $0x100000, s1;
	[bflag:$0x2] =	sbarrier.arrive $0xFFFF  }
0x78: {  	[sflag:s0] =	ssyncadd.tile.s32 @!p0 $0x1;
	_ =	shalt  }
.Lfunc_end2:
_tile_overlayer_lowered:
.L_overlay_start_2:
0x79: {  	(tag) =	ssettag $0x2  }
0x7a: {  	s0 =	rddreg [dreg:$0x0];
	s2 =	stileid.u32  }
0x7b: {  	s1 =	rddreg [dreg:$0x1];
	p0 =	sne.s32 s2, $0x0  }
0x7c: {  	s3 =	rddreg [dreg:$0x2];
	[bflag:$0x3] =	sbarrier.arrive $0xFFFF;
	s2 =	simm.s32 @!p0 $0x1C02  }
0x7d: {  	[timem:s3], [sflag:s2] =	dma.local @!p0 [hbm:s0], s1  }
0x7e: {  	s0 =	simm.s32 @!p0 $0x2  }
0x7f: {  	_ =	swait.ge @!p0 [sflag:s0], s1  }
0x80: {  	s1 =	ssub.s32 @!p0 $0x0, s1;
	[sflag:s0] =	ssyncset.done @!p0 $0x0  }
0x81: {  	[sflag:s0] =	ssyncadd.s32 @!p0 s1  }
0x82: {  	[bflag:$0x3] =	sbarrier.arrive $0xFFFF  }
0x83: {  	_ =	shalt  }

</sc_bundles>
